<compile_context>
chip_gen: v7x
topology: tpu7x:2x2x1
jax: 0.10.2.dev20260603
libtpu: 0.0.44.dev20260713+nightly
codegen_flags: <defaults>
</compile_context>

<pallas_src>
import functools

import jax
import jax.numpy as jnp
from jax import lax
from jax.experimental import pallas as pl
from jax.experimental.pallas import tpu as pltpu
from jax.experimental.pallas import tpu_sc as plsc

VOCAB = 1000000
H = 64
B = 16384
L = 15

NC = 2
NS = 16
NW = NC * NS
BPW = B // NW
CB = 32
NCH = BPW // CB
XROWS = CB * L // 120


def _sc_body(center_hbm, ctx_hbm, u_hbm, v_hbm, out_hbm,
             cidx0, cidx1, xidx0, xidx1, ur0, ur1, vr0, vr1, ob0, ob1,
             gsem0, gsem1):
    cid = lax.axis_index("c")
    sid = lax.axis_index("s")
    wid = sid * NC + cid
    base_b = wid * BPW

    lane = lax.iota(jnp.int32, 16)

    def idx_copy(c, cidx, xidx):
        row0 = pl.multiple_of(base_b + c * CB, CB)
        pltpu.sync_copy(center_hbm.at[pl.ds(row0, CB)], cidx)
        xr0 = pl.multiple_of(wid * (BPW * L // 120) + c * XROWS, XROWS)
        pltpu.sync_copy(ctx_hbm.at[pl.ds(xr0, XROWS)], xidx)

    def gather_descs(cidx, xidx, ur, vr, gsem):
        ds = [pltpu.make_async_copy(u_hbm.at[cidx], ur, gsem)]
        for j in range(XROWS):
            ds.append(pltpu.make_async_copy(
                v_hbm.at[xidx.at[j]], vr.at[pl.ds(j * 120, 120)], gsem))
        return ds

    def compute(ur, vr, ob):
        def bbody(b, carry):
            uvec = [ur[b, pl.ds(t * 16, 16)] for t in range(H // 16)]
            res = jnp.zeros((16,), jnp.float32)
            for l in range(L):
                row = b * L + l
                p = [vr[row, pl.ds(t * 16, 16)] * uvec[t]
                     for t in range(H // 16)]
                d = jnp.sum((p[0] + p[1]) + (p[2] + p[3]))
                res = jnp.where(lane == l, jnp.broadcast_to(d, (16,)), res)
            ob[b, :] = res
            return carry
        lax.fori_loop(0, CB, bbody, 0)

    bufs = ((cidx0, xidx0, ur0, vr0, ob0, gsem0),
            (cidx1, xidx1, ur1, vr1, ob1, gsem1))

    idx_copy(0, bufs[0][0], bufs[0][1])
    for d in gather_descs(bufs[0][0], bufs[0][1], bufs[0][2], bufs[0][3],
                          bufs[0][5]):
        d.start()

    def pair_body(p, carry):
        for par in (0, 1):
            c = p * 2 + par
            cur = bufs[par]
            nxt = bufs[1 - par]
            for d in gather_descs(cur[0], cur[1], cur[2], cur[3], cur[5]):
                d.wait()

            @pl.when(c + 1 < NCH)
            def _prefetch():
                idx_copy(c + 1, nxt[0], nxt[1])
                for d in gather_descs(nxt[0], nxt[1], nxt[2], nxt[3],
                                      nxt[5]):
                    d.start()

            compute(cur[2], cur[3], cur[4])
            row0 = pl.multiple_of(base_b + c * CB, CB)
            pltpu.sync_copy(cur[4], out_hbm.at[pl.ds(row0, CB)])
        return carry

    lax.fori_loop(0, NCH // 2, pair_body, 0)


@jax.jit
def kernel(center_ids, context_neg_ids, U, V):
    center_flat = center_ids.reshape(B).astype(jnp.int32)
    ctx2d = context_neg_ids.reshape(-1, 120).astype(jnp.int32)

    mesh = plsc.VectorSubcoreMesh(core_axis_name="c", subcore_axis_name="s")
    call = functools.partial(
        pl.kernel,
        mesh=mesh,
        compiler_params=pltpu.CompilerParams(needs_layout_passes=False,
                                             use_tc_tiling_on_sc=False),
        out_type=jax.ShapeDtypeStruct((B, 16), jnp.float32),
        scratch_types=[
            pltpu.VMEM((CB,), jnp.int32),
            pltpu.VMEM((CB,), jnp.int32),
            pltpu.VMEM((XROWS, 120), jnp.int32),
            pltpu.VMEM((XROWS, 120), jnp.int32),
            pltpu.VMEM((CB, H), jnp.float32),
            pltpu.VMEM((CB, H), jnp.float32),
            pltpu.VMEM((CB * L, H), jnp.float32),
            pltpu.VMEM((CB * L, H), jnp.float32),
            pltpu.VMEM((CB, 16), jnp.float32),
            pltpu.VMEM((CB, 16), jnp.float32),
            pltpu.SemaphoreType.DMA,
            pltpu.SemaphoreType.DMA,
        ],
    )(_sc_body)
    out_pad = call(center_flat, ctx2d, U, V)
    return out_pad[:, :L]

# --- scband reference (transcript-rebuilt; emitter-appended) ---
"""Pipeline reference for scband-skip-gram-22273700397567 (READ-ONLY COPY).

The authoritative reference and input builder live on the scoring server;
editing this copy changes nothing except your own understanding.
"""

import jax, jax.numpy as jnp
import numpy as np

VOCAB = 1000000
HIDDEN = 64
BATCH = 16384
LCTX = 15

def _xavier_uniform(key, shape):
    fan_in, fan_out = shape[0], shape[1]
    a = float(np.sqrt(6.0 / (fan_in + fan_out)))
    return jax.random.uniform(key, shape, dtype=jnp.float32, minval=-a, maxval=a)

def setup_inputs(seed: int = 0) -> dict:
    key = jax.random.key(seed)
    k1, k2, k3, k4 = jax.random.split(key, 4)
    center_ids = jax.random.randint(k1, (BATCH, 1), 0, VOCAB, dtype=jnp.int64) if jax.config.jax_enable_x64 else jax.random.randint(k1, (BATCH, 1), 0, VOCAB).astype(jnp.int32)
    context_neg_ids = jax.random.randint(k2, (BATCH, LCTX), 0, VOCAB).astype(jnp.int32)
    center_ids = center_ids.astype(jnp.int32)
    U = _xavier_uniform(k3, (VOCAB, HIDDEN))
    V = _xavier_uniform(k4, (VOCAB, HIDDEN))
    return {"center_ids": center_ids, "context_neg_ids": context_neg_ids, "U": U, "V": V}

def reference(center_ids, context_neg_ids, U, V):
    # center_embedding = U(center_ids) -> [B, 1, H]
    center_embedding = jnp.take(U, center_ids, axis=0)
    # context_neg_embedding = V(context_neg_ids) -> [B, L, H]
    context_neg_embedding = jnp.take(V, context_neg_ids, axis=0)
    # bmm([B, L, H], [B, H, 1]) -> [B, L, 1], squeeze -> [B, L]
    center_embedding_t = jnp.transpose(center_embedding, (0, 2, 1))
    dot_product = jnp.matmul(context_neg_embedding, center_embedding_t)
    return jnp.squeeze(dot_product, axis=2)

if __name__ == "__main__":
    import jax
    _d = setup_inputs()
    print(jax.jit(kernel)(*tuple(_d.values())))

</pallas_src>

<mosaic_0001>
#map = affine_map<(d0, d1) -> (0)>
#map1 = affine_map<(d0, d1) -> (0, 0)>
module attributes {stable_mosaic.version = 14 : i64} {
  func.func @_sc_body(%arg0: i32, %arg1: i32, %arg2: memref<16384xi32, #tpu.memory_space<hbm>>, %arg3: memref<2048x120xi32, #tpu.memory_space<hbm>>, %arg4: memref<1000000x64xf32, #tpu.memory_space<hbm>>, %arg5: memref<1000000x64xf32, #tpu.memory_space<hbm>>, %arg6: memref<16384x16xf32, #tpu.memory_space<hbm>>, %arg7: memref<32xi32, #tpu.memory_space<vmem>>, %arg8: memref<32xi32, #tpu.memory_space<vmem>>, %arg9: memref<4x120xi32, #tpu.memory_space<vmem>>, %arg10: memref<4x120xi32, #tpu.memory_space<vmem>>, %arg11: memref<32x64xf32, #tpu.memory_space<vmem>>, %arg12: memref<32x64xf32, #tpu.memory_space<vmem>>, %arg13: memref<480x64xf32, #tpu.memory_space<vmem>>, %arg14: memref<480x64xf32, #tpu.memory_space<vmem>>, %arg15: memref<32x16xf32, #tpu.memory_space<vmem>>, %arg16: memref<32x16xf32, #tpu.memory_space<vmem>>, %arg17: memref<!tpu.dma_semaphore, #tpu.memory_space<semaphore_mem>>, %arg18: memref<!tpu.dma_semaphore, #tpu.memory_space<semaphore_mem>>) attributes {dimension_semantics = [#tpu.dimension_semantics<core_parallel>, #tpu.dimension_semantics<subcore_parallel>], iteration_bounds = array<i64: 2, 16>, scalar_prefetch = 0 : i64, scratch_operands = 12 : i64, tpu.core_type = #tpu.core_type<sc_vector_subcore>, window_params = [{transform_indices = #map}, {transform_indices = #map1}, {transform_indices = #map1}, {transform_indices = #map1}, {transform_indices = #map1}]} {
    %mul3A = arith.constant 2 : i32
    %mul3A_0 = arith.muli %arg1, %mul3A : i32
    %add3A = arith.addi %mul3A_0, %arg0 : i32
    %mul3A_1 = arith.constant 512 : i32
    %mul3A_2 = arith.muli %add3A, %mul3A_1 : i32
    %iota3A = tpu.iota {dimensions = array<i32: 0>} : vector<16xi32>
    %add3A_3 = arith.constant 0 : i32
    %add3A_4 = arith.addi %mul3A_2, %add3A_3 : i32
    %multiple_of3A = tpu.assume_multiple %add3A_4, 32 : i32
    "tpu.region"() ({
      %run_scoped3A = tpu.sem_alloc : memref<!tpu.dma_semaphore, #tpu.memory_space<semaphore_mem>>
      %dma_start3A_57 = tpu.memref_slice %arg2[%multiple_of3A] : memref<16384xi32, #tpu.memory_space<hbm>> -> memref<32xi32, #tpu.memory_space<hbm>>
      %dma_start3A_58 = tpu.memref_slice %arg2[%multiple_of3A] : memref<16384xi32, #tpu.memory_space<hbm>> -> memref<32xi32, #tpu.memory_space<hbm>>
      tpu.enqueue_dma source(%dma_start3A_58 : memref<32xi32, #tpu.memory_space<hbm>>) target(%arg7 : memref<32xi32, #tpu.memory_space<vmem>>) target_semaphore(%run_scoped3A : memref<!tpu.dma_semaphore, #tpu.memory_space<semaphore_mem>>)
      %dma_wait3A = tpu.memref_slice %arg2[%multiple_of3A] : memref<16384xi32, #tpu.memory_space<hbm>> -> memref<32xi32, #tpu.memory_space<hbm>>
      %dma_wait3A_59 = tpu.memref_slice %arg2[%multiple_of3A] : memref<16384xi32, #tpu.memory_space<hbm>> -> memref<32xi32, #tpu.memory_space<hbm>>
      tpu.wait_dma2 semaphore(%run_scoped3A : memref<!tpu.dma_semaphore, #tpu.memory_space<semaphore_mem>>) src(%dma_wait3A_59 : memref<32xi32, #tpu.memory_space<hbm>>) dst(%arg7 : memref<32xi32, #tpu.memory_space<vmem>>)
      tpu.yield
    }) : () -> ()
    %mul3A_5 = arith.constant 64 : i32
    %mul3A_6 = arith.muli %add3A, %mul3A_5 : i32
    %add3A_7 = arith.constant 0 : i32
    %add3A_8 = arith.addi %mul3A_6, %add3A_7 : i32
    %multiple_of3A_9 = tpu.assume_multiple %add3A_8, 4 : i32
    "tpu.region"() ({
      %run_scoped3A = tpu.sem_alloc : memref<!tpu.dma_semaphore, #tpu.memory_space<semaphore_mem>>
      %dma_start3A_57 = arith.constant 0 : i32
      %dma_start3A_58 = tpu.memref_slice %arg3[%multiple_of3A_9, %dma_start3A_57] : memref<2048x120xi32, #tpu.memory_space<hbm>> -> memref<4x120xi32, #tpu.memory_space<hbm>>
      %dma_start3A_59 = arith.constant 0 : i32
      %dma_start3A_60 = tpu.memref_slice %arg3[%multiple_of3A_9, %dma_start3A_59] : memref<2048x120xi32, #tpu.memory_space<hbm>> -> memref<4x120xi32, #tpu.memory_space<hbm>>
      tpu.enqueue_dma source(%dma_start3A_60 : memref<4x120xi32, #tpu.memory_space<hbm>>) target(%arg9 : memref<4x120xi32, #tpu.memory_space<vmem>>) target_semaphore(%run_scoped3A : memref<!tpu.dma_semaphore, #tpu.memory_space<semaphore_mem>>)
      %dma_wait3A = arith.constant 0 : i32
      %dma_wait3A_61 = tpu.memref_slice %arg3[%multiple_of3A_9, %dma_wait3A] : memref<2048x120xi32, #tpu.memory_space<hbm>> -> memref<4x120xi32, #tpu.memory_space<hbm>>
      %dma_wait3A_62 = arith.constant 0 : i32
      %dma_wait3A_63 = tpu.memref_slice %arg3[%multiple_of3A_9, %dma_wait3A_62] : memref<2048x120xi32, #tpu.memory_space<hbm>> -> memref<4x120xi32, #tpu.memory_space<hbm>>
      tpu.wait_dma2 semaphore(%run_scoped3A : memref<!tpu.dma_semaphore, #tpu.memory_space<semaphore_mem>>) src(%dma_wait3A_63 : memref<4x120xi32, #tpu.memory_space<hbm>>) dst(%arg9 : memref<4x120xi32, #tpu.memory_space<vmem>>)
      tpu.yield
    }) : () -> ()
    %dma_start3A = arith.constant 0 : i32
    %dma_start3A_10 = arith.constant 0 : i32
    %dma_start3A_11 = tpu.memref_slice %arg4[%dma_start3A, %dma_start3A_10] : memref<1000000x64xf32, #tpu.memory_space<hbm>> -> memref<1000000x64xf32, #tpu.memory_space<hbm>>
    tpu.enqueue_indirect_dma source(%dma_start3A_11 : memref<1000000x64xf32, #tpu.memory_space<hbm>>) target(%arg11 : memref<32x64xf32, #tpu.memory_space<vmem>>) offsets(%arg7 : memref<32xi32, #tpu.memory_space<vmem>>) semaphore(%arg17 : memref<!tpu.dma_semaphore, #tpu.memory_space<semaphore_mem>>)
    %dma_start3A_12 = arith.constant 0 : i32
    %dma_start3A_13 = arith.constant 0 : i32
    %dma_start3A_14 = arith.constant 0 : i32
    %dma_start3A_15 = tpu.memref_slice %arg13[%dma_start3A_13, %dma_start3A_14] : memref<480x64xf32, #tpu.memory_space<vmem>> -> memref<120x64xf32, #tpu.memory_space<vmem>>
    %dma_start3A_16 = arith.constant 0 : i32
    %dma_start3A_17 = tpu.memref_slice %arg9[%dma_start3A_12, %dma_start3A_16] : memref<4x120xi32, #tpu.memory_space<vmem>> -> memref<1x120xi32, #tpu.memory_space<vmem>>
    %dma_start3A_18 = tpu.memref_squeeze %dma_start3A_17 : memref<1x120xi32, #tpu.memory_space<vmem>> -> memref<120xi32, #tpu.memory_space<vmem>>
    %dma_start3A_19 = arith.constant 0 : i32
    %dma_start3A_20 = arith.constant 0 : i32
    %dma_start3A_21 = tpu.memref_slice %arg5[%dma_start3A_19, %dma_start3A_20] : memref<1000000x64xf32, #tpu.memory_space<hbm>> -> memref<1000000x64xf32, #tpu.memory_space<hbm>>
    tpu.enqueue_indirect_dma source(%dma_start3A_21 : memref<1000000x64xf32, #tpu.memory_space<hbm>>) target(%dma_start3A_15 : memref<120x64xf32, #tpu.memory_space<vmem>>) offsets(%dma_start3A_18 : memref<120xi32, #tpu.memory_space<vmem>>) semaphore(%arg17 : memref<!tpu.dma_semaphore, #tpu.memory_space<semaphore_mem>>)
    %dma_start3A_22 = arith.constant 1 : i32
    %dma_start3A_23 = arith.constant 120 : i32
    %dma_start3A_24 = arith.constant 0 : i32
    %dma_start3A_25 = tpu.memref_slice %arg13[%dma_start3A_23, %dma_start3A_24] : memref<480x64xf32, #tpu.memory_space<vmem>> -> memref<120x64xf32, #tpu.memory_space<vmem>>
    %dma_start3A_26 = arith.constant 0 : i32
    %dma_start3A_27 = tpu.memref_slice %arg9[%dma_start3A_22, %dma_start3A_26] : memref<4x120xi32, #tpu.memory_space<vmem>> -> memref<1x120xi32, #tpu.memory_space<vmem>>
    %dma_start3A_28 = tpu.memref_squeeze %dma_start3A_27 : memref<1x120xi32, #tpu.memory_space<vmem>> -> memref<120xi32, #tpu.memory_space<vmem>>
    %dma_start3A_29 = arith.constant 0 : i32
    %dma_start3A_30 = arith.constant 0 : i32
    %dma_start3A_31 = tpu.memref_slice %arg5[%dma_start3A_29, %dma_start3A_30] : memref<1000000x64xf32, #tpu.memory_space<hbm>> -> memref<1000000x64xf32, #tpu.memory_space<hbm>>
    tpu.enqueue_indirect_dma source(%dma_start3A_31 : memref<1000000x64xf32, #tpu.memory_space<hbm>>) target(%dma_start3A_25 : memref<120x64xf32, #tpu.memory_space<vmem>>) offsets(%dma_start3A_28 : memref<120xi32, #tpu.memory_space<vmem>>) semaphore(%arg17 : memref<!tpu.dma_semaphore, #tpu.memory_space<semaphore_mem>>)
    %dma_start3A_32 = arith.constant 2 : i32
    %dma_start3A_33 = arith.constant 240 : i32
    %dma_start3A_34 = arith.constant 0 : i32
    %dma_start3A_35 = tpu.memref_slice %arg13[%dma_start3A_33, %dma_start3A_34] : memref<480x64xf32, #tpu.memory_space<vmem>> -> memref<120x64xf32, #tpu.memory_space<vmem>>
    %dma_start3A_36 = arith.constant 0 : i32
    %dma_start3A_37 = tpu.memref_slice %arg9[%dma_start3A_32, %dma_start3A_36] : memref<4x120xi32, #tpu.memory_space<vmem>> -> memref<1x120xi32, #tpu.memory_space<vmem>>
    %dma_start3A_38 = tpu.memref_squeeze %dma_start3A_37 : memref<1x120xi32, #tpu.memory_space<vmem>> -> memref<120xi32, #tpu.memory_space<vmem>>
    %dma_start3A_39 = arith.constant 0 : i32
    %dma_start3A_40 = arith.constant 0 : i32
    %dma_start3A_41 = tpu.memref_slice %arg5[%dma_start3A_39, %dma_start3A_40] : memref<1000000x64xf32, #tpu.memory_space<hbm>> -> memref<1000000x64xf32, #tpu.memory_space<hbm>>
    tpu.enqueue_indirect_dma source(%dma_start3A_41 : memref<1000000x64xf32, #tpu.memory_space<hbm>>) target(%dma_start3A_35 : memref<120x64xf32, #tpu.memory_space<vmem>>) offsets(%dma_start3A_38 : memref<120xi32, #tpu.memory_space<vmem>>) semaphore(%arg17 : memref<!tpu.dma_semaphore, #tpu.memory_space<semaphore_mem>>)
    %dma_start3A_42 = arith.constant 3 : i32
    %dma_start3A_43 = arith.constant 360 : i32
    %dma_start3A_44 = arith.constant 0 : i32
    %dma_start3A_45 = tpu.memref_slice %arg13[%dma_start3A_43, %dma_start3A_44] : memref<480x64xf32, #tpu.memory_space<vmem>> -> memref<120x64xf32, #tpu.memory_space<vmem>>
    %dma_start3A_46 = arith.constant 0 : i32
    %dma_start3A_47 = tpu.memref_slice %arg9[%dma_start3A_42, %dma_start3A_46] : memref<4x120xi32, #tpu.memory_space<vmem>> -> memref<1x120xi32, #tpu.memory_space<vmem>>
    %dma_start3A_48 = tpu.memref_squeeze %dma_start3A_47 : memref<1x120xi32, #tpu.memory_space<vmem>> -> memref<120xi32, #tpu.memory_space<vmem>>
    %dma_start3A_49 = arith.constant 0 : i32
    %dma_start3A_50 = arith.constant 0 : i32
    %dma_start3A_51 = tpu.memref_slice %arg5[%dma_start3A_49, %dma_start3A_50] : memref<1000000x64xf32, #tpu.memory_space<hbm>> -> memref<1000000x64xf32, #tpu.memory_space<hbm>>
    tpu.enqueue_indirect_dma source(%dma_start3A_51 : memref<1000000x64xf32, #tpu.memory_space<hbm>>) target(%dma_start3A_45 : memref<120x64xf32, #tpu.memory_space<vmem>>) offsets(%dma_start3A_48 : memref<120xi32, #tpu.memory_space<vmem>>) semaphore(%arg17 : memref<!tpu.dma_semaphore, #tpu.memory_space<semaphore_mem>>)
    %scan3A = arith.constant 0 : i32
    %scan3A_52 = arith.constant 0 : i32
    %scan3A_53 = arith.constant 8 : i32
    %scan3A_54 = arith.addi %scan3A_52, %scan3A_53 : i32
    %scan3A_55 = arith.constant 1 : i32
    scf.for %scan3A_57 = %scan3A_52 to %scan3A_54 step %scan3A_55  : i32 {
      %mul3A_58 = arith.constant 2 : i32
      %mul3A_59 = arith.muli %scan3A_57, %mul3A_58 : i32
      %add3A_60 = arith.constant 0 : i32
      %add3A_61 = arith.addi %mul3A_59, %add3A_60 : i32
      %dma_wait3A = arith.constant 0 : i32
      %dma_wait3A_62 = arith.constant 0 : i32
      %dma_wait3A_63 = tpu.memref_slice %arg4[%dma_wait3A, %dma_wait3A_62] : memref<1000000x64xf32, #tpu.memory_space<hbm>> -> memref<1000000x64xf32, #tpu.memory_space<hbm>>
      tpu.wait_indirect_dma semaphore(%arg17 : memref<!tpu.dma_semaphore, #tpu.memory_space<semaphore_mem>>) src(%dma_wait3A_63 : memref<1000000x64xf32, #tpu.memory_space<hbm>>) dst(%arg11 : memref<32x64xf32, #tpu.memory_space<vmem>>)
      %dma_wait3A_64 = arith.constant 0 : i32
      %dma_wait3A_65 = arith.constant 0 : i32
      %dma_wait3A_66 = arith.constant 0 : i32
      %dma_wait3A_67 = tpu.memref_slice %arg13[%dma_wait3A_65, %dma_wait3A_66] : memref<480x64xf32, #tpu.memory_space<vmem>> -> memref<120x64xf32, #tpu.memory_space<vmem>>
      %dma_wait3A_68 = arith.constant 0 : i32
      %dma_wait3A_69 = tpu.memref_slice %arg9[%dma_wait3A_64, %dma_wait3A_68] : memref<4x120xi32, #tpu.memory_space<vmem>> -> memref<1x120xi32, #tpu.memory_space<vmem>>
      %dma_wait3A_70 = tpu.memref_squeeze %dma_wait3A_69 : memref<1x120xi32, #tpu.memory_space<vmem>> -> memref<120xi32, #tpu.memory_space<vmem>>
      %dma_wait3A_71 = arith.constant 0 : i32
      %dma_wait3A_72 = arith.constant 0 : i32
      %dma_wait3A_73 = tpu.memref_slice %arg5[%dma_wait3A_71, %dma_wait3A_72] : memref<1000000x64xf32, #tpu.memory_space<hbm>> -> memref<1000000x64xf32, #tpu.memory_space<hbm>>
      tpu.wait_indirect_dma semaphore(%arg17 : memref<!tpu.dma_semaphore, #tpu.memory_space<semaphore_mem>>) src(%dma_wait3A_73 : memref<1000000x64xf32, #tpu.memory_space<hbm>>) dst(%dma_wait3A_67 : memref<120x64xf32, #tpu.memory_space<vmem>>)
      %dma_wait3A_74 = arith.constant 1 : i32
      %dma_wait3A_75 = arith.constant 120 : i32
      %dma_wait3A_76 = arith.constant 0 : i32
      %dma_wait3A_77 = tpu.memref_slice %arg13[%dma_wait3A_75, %dma_wait3A_76] : memref<480x64xf32, #tpu.memory_space<vmem>> -> memref<120x64xf32, #tpu.memory_space<vmem>>
      %dma_wait3A_78 = arith.constant 0 : i32
      %dma_wait3A_79 = tpu.memref_slice %arg9[%dma_wait3A_74, %dma_wait3A_78] : memref<4x120xi32, #tpu.memory_space<vmem>> -> memref<1x120xi32, #tpu.memory_space<vmem>>
      %dma_wait3A_80 = tpu.memref_squeeze %dma_wait3A_79 : memref<1x120xi32, #tpu.memory_space<vmem>> -> memref<120xi32, #tpu.memory_space<vmem>>
      %dma_wait3A_81 = arith.constant 0 : i32
      %dma_wait3A_82 = arith.constant 0 : i32
      %dma_wait3A_83 = tpu.memref_slice %arg5[%dma_wait3A_81, %dma_wait3A_82] : memref<1000000x64xf32, #tpu.memory_space<hbm>> -> memref<1000000x64xf32, #tpu.memory_space<hbm>>
      tpu.wait_indirect_dma semaphore(%arg17 : memref<!tpu.dma_semaphore, #tpu.memory_space<semaphore_mem>>) src(%dma_wait3A_83 : memref<1000000x64xf32, #tpu.memory_space<hbm>>) dst(%dma_wait3A_77 : memref<120x64xf32, #tpu.memory_space<vmem>>)
      %dma_wait3A_84 = arith.constant 2 : i32
      %dma_wait3A_85 = arith.constant 240 : i32
      %dma_wait3A_86 = arith.constant 0 : i32
      %dma_wait3A_87 = tpu.memref_slice %arg13[%dma_wait3A_85, %dma_wait3A_86] : memref<480x64xf32, #tpu.memory_space<vmem>> -> memref<120x64xf32, #tpu.memory_space<vmem>>
      %dma_wait3A_88 = arith.constant 0 : i32
      %dma_wait3A_89 = tpu.memref_slice %arg9[%dma_wait3A_84, %dma_wait3A_88] : memref<4x120xi32, #tpu.memory_space<vmem>> -> memref<1x120xi32, #tpu.memory_space<vmem>>
      %dma_wait3A_90 = tpu.memref_squeeze %dma_wait3A_89 : memref<1x120xi32, #tpu.memory_space<vmem>> -> memref<120xi32, #tpu.memory_space<vmem>>
      %dma_wait3A_91 = arith.constant 0 : i32
      %dma_wait3A_92 = arith.constant 0 : i32
      %dma_wait3A_93 = tpu.memref_slice %arg5[%dma_wait3A_91, %dma_wait3A_92] : memref<1000000x64xf32, #tpu.memory_space<hbm>> -> memref<1000000x64xf32, #tpu.memory_space<hbm>>
      tpu.wait_indirect_dma semaphore(%arg17 : memref<!tpu.dma_semaphore, #tpu.memory_space<semaphore_mem>>) src(%dma_wait3A_93 : memref<1000000x64xf32, #tpu.memory_space<hbm>>) dst(%dma_wait3A_87 : memref<120x64xf32, #tpu.memory_space<vmem>>)
      %dma_wait3A_94 = arith.constant 3 : i32
      %dma_wait3A_95 = arith.constant 360 : i32
      %dma_wait3A_96 = arith.constant 0 : i32
      %dma_wait3A_97 = tpu.memref_slice %arg13[%dma_wait3A_95, %dma_wait3A_96] : memref<480x64xf32, #tpu.memory_space<vmem>> -> memref<120x64xf32, #tpu.memory_space<vmem>>
      %dma_wait3A_98 = arith.constant 0 : i32
      %dma_wait3A_99 = tpu.memref_slice %arg9[%dma_wait3A_94, %dma_wait3A_98] : memref<4x120xi32, #tpu.memory_space<vmem>> -> memref<1x120xi32, #tpu.memory_space<vmem>>
      %dma_wait3A_100 = tpu.memref_squeeze %dma_wait3A_99 : memref<1x120xi32, #tpu.memory_space<vmem>> -> memref<120xi32, #tpu.memory_space<vmem>>
      %dma_wait3A_101 = arith.constant 0 : i32
      %dma_wait3A_102 = arith.constant 0 : i32
      %dma_wait3A_103 = tpu.memref_slice %arg5[%dma_wait3A_101, %dma_wait3A_102] : memref<1000000x64xf32, #tpu.memory_space<hbm>> -> memref<1000000x64xf32, #tpu.memory_space<hbm>>
      tpu.wait_indirect_dma semaphore(%arg17 : memref<!tpu.dma_semaphore, #tpu.memory_space<semaphore_mem>>) src(%dma_wait3A_103 : memref<1000000x64xf32, #tpu.memory_space<hbm>>) dst(%dma_wait3A_97 : memref<120x64xf32, #tpu.memory_space<vmem>>)
      %add3A_104 = arith.constant 1 : i32
      %add3A_105 = arith.addi %add3A_61, %add3A_104 : i32
      %lt3A = arith.constant 16 : i32
      %lt3A_106 = arith.cmpi slt, %add3A_105, %lt3A : i32
      %convert_element_type3A = arith.extui %lt3A_106 : i1 to i32
      %cond3A = arith.constant 0 : i32
      %cond3A_107 = arith.cmpi ne, %convert_element_type3A, %cond3A : i32
      scf.if %cond3A_107 {
        %add3A_182 = arith.constant 1 : i32
        %add3A_183 = arith.addi %add3A_61, %add3A_182 : i32
        %mul3A_184 = arith.constant 32 : i32
        %mul3A_185 = arith.muli %add3A_183, %mul3A_184 : i32
        %add3A_186 = arith.addi %mul3A_2, %mul3A_185 : i32
        %multiple_of3A_187 = tpu.assume_multiple %add3A_186, 32 : i32
        "tpu.region"() ({
          %run_scoped3A = tpu.sem_alloc : memref<!tpu.dma_semaphore, #tpu.memory_space<semaphore_mem>>
          %dma_start3A_237 = tpu.memref_slice %arg2[%multiple_of3A_187] : memref<16384xi32, #tpu.memory_space<hbm>> -> memref<32xi32, #tpu.memory_space<hbm>>
          %dma_start3A_238 = tpu.memref_slice %arg2[%multiple_of3A_187] : memref<16384xi32, #tpu.memory_space<hbm>> -> memref<32xi32, #tpu.memory_space<hbm>>
          tpu.enqueue_dma source(%dma_start3A_238 : memref<32xi32, #tpu.memory_space<hbm>>) target(%arg8 : memref<32xi32, #tpu.memory_space<vmem>>) target_semaphore(%run_scoped3A : memref<!tpu.dma_semaphore, #tpu.memory_space<semaphore_mem>>)
          %dma_wait3A_239 = tpu.memref_slice %arg2[%multiple_of3A_187] : memref<16384xi32, #tpu.memory_space<hbm>> -> memref<32xi32, #tpu.memory_space<hbm>>
          %dma_wait3A_240 = tpu.memref_slice %arg2[%multiple_of3A_187] : memref<16384xi32, #tpu.memory_space<hbm>> -> memref<32xi32, #tpu.memory_space<hbm>>
          tpu.wait_dma2 semaphore(%run_scoped3A : memref<!tpu.dma_semaphore, #tpu.memory_space<semaphore_mem>>) src(%dma_wait3A_240 : memref<32xi32, #tpu.memory_space<hbm>>) dst(%arg8 : memref<32xi32, #tpu.memory_space<vmem>>)
          tpu.yield
        }) : () -> ()
        %mul3A_188 = arith.constant 64 : i32
        %mul3A_189 = arith.muli %add3A, %mul3A_188 : i32
        %mul3A_190 = arith.constant 4 : i32
        %mul3A_191 = arith.muli %add3A_183, %mul3A_190 : i32
        %add3A_192 = arith.addi %mul3A_189, %mul3A_191 : i32
        %multiple_of3A_193 = tpu.assume_multiple %add3A_192, 4 : i32
        "tpu.region"() ({
          %run_scoped3A = tpu.sem_alloc : memref<!tpu.dma_semaphore, #tpu.memory_space<semaphore_mem>>
          %dma_start3A_237 = arith.constant 0 : i32
          %dma_start3A_238 = tpu.memref_slice %arg3[%multiple_of3A_193, %dma_start3A_237] : memref<2048x120xi32, #tpu.memory_space<hbm>> -> memref<4x120xi32, #tpu.memory_space<hbm>>
          %dma_start3A_239 = arith.constant 0 : i32
          %dma_start3A_240 = tpu.memref_slice %arg3[%multiple_of3A_193, %dma_start3A_239] : memref<2048x120xi32, #tpu.memory_space<hbm>> -> memref<4x120xi32, #tpu.memory_space<hbm>>
          tpu.enqueue_dma source(%dma_start3A_240 : memref<4x120xi32, #tpu.memory_space<hbm>>) target(%arg10 : memref<4x120xi32, #tpu.memory_space<vmem>>) target_semaphore(%run_scoped3A : memref<!tpu.dma_semaphore, #tpu.memory_space<semaphore_mem>>)
          %dma_wait3A_241 = arith.constant 0 : i32
          %dma_wait3A_242 = tpu.memref_slice %arg3[%multiple_of3A_193, %dma_wait3A_241] : memref<2048x120xi32, #tpu.memory_space<hbm>> -> memref<4x120xi32, #tpu.memory_space<hbm>>
          %dma_wait3A_243 = arith.constant 0 : i32
          %dma_wait3A_244 = tpu.memref_slice %arg3[%multiple_of3A_193, %dma_wait3A_243] : memref<2048x120xi32, #tpu.memory_space<hbm>> -> memref<4x120xi32, #tpu.memory_space<hbm>>
          tpu.wait_dma2 semaphore(%run_scoped3A : memref<!tpu.dma_semaphore, #tpu.memory_space<semaphore_mem>>) src(%dma_wait3A_244 : memref<4x120xi32, #tpu.memory_space<hbm>>) dst(%arg10 : memref<4x120xi32, #tpu.memory_space<vmem>>)
          tpu.yield
        }) : () -> ()
        %dma_start3A_194 = arith.constant 0 : i32
        %dma_start3A_195 = arith.constant 0 : i32
        %dma_start3A_196 = tpu.memref_slice %arg4[%dma_start3A_194, %dma_start3A_195] : memref<1000000x64xf32, #tpu.memory_space<hbm>> -> memref<1000000x64xf32, #tpu.memory_space<hbm>>
        tpu.enqueue_indirect_dma source(%dma_start3A_196 : memref<1000000x64xf32, #tpu.memory_space<hbm>>) target(%arg12 : memref<32x64xf32, #tpu.memory_space<vmem>>) offsets(%arg8 : memref<32xi32, #tpu.memory_space<vmem>>) semaphore(%arg18 : memref<!tpu.dma_semaphore, #tpu.memory_space<semaphore_mem>>)
        %dma_start3A_197 = arith.constant 0 : i32
        %dma_start3A_198 = arith.constant 0 : i32
        %dma_start3A_199 = arith.constant 0 : i32
        %dma_start3A_200 = tpu.memref_slice %arg14[%dma_start3A_198, %dma_start3A_199] : memref<480x64xf32, #tpu.memory_space<vmem>> -> memref<120x64xf32, #tpu.memory_space<vmem>>
        %dma_start3A_201 = arith.constant 0 : i32
        %dma_start3A_202 = tpu.memref_slice %arg10[%dma_start3A_197, %dma_start3A_201] : memref<4x120xi32, #tpu.memory_space<vmem>> -> memref<1x120xi32, #tpu.memory_space<vmem>>
        %dma_start3A_203 = tpu.memref_squeeze %dma_start3A_202 : memref<1x120xi32, #tpu.memory_space<vmem>> -> memref<120xi32, #tpu.memory_space<vmem>>
        %dma_start3A_204 = arith.constant 0 : i32
        %dma_start3A_205 = arith.constant 0 : i32
        %dma_start3A_206 = tpu.memref_slice %arg5[%dma_start3A_204, %dma_start3A_205] : memref<1000000x64xf32, #tpu.memory_space<hbm>> -> memref<1000000x64xf32, #tpu.memory_space<hbm>>
        tpu.enqueue_indirect_dma source(%dma_start3A_206 : memref<1000000x64xf32, #tpu.memory_space<hbm>>) target(%dma_start3A_200 : memref<120x64xf32, #tpu.memory_space<vmem>>) offsets(%dma_start3A_203 : memref<120xi32, #tpu.memory_space<vmem>>) semaphore(%arg18 : memref<!tpu.dma_semaphore, #tpu.memory_space<semaphore_mem>>)
        %dma_start3A_207 = arith.constant 1 : i32
        %dma_start3A_208 = arith.constant 120 : i32
        %dma_start3A_209 = arith.constant 0 : i32
        %dma_start3A_210 = tpu.memref_slice %arg14[%dma_start3A_208, %dma_start3A_209] : memref<480x64xf32, #tpu.memory_space<vmem>> -> memref<120x64xf32, #tpu.memory_space<vmem>>
        %dma_start3A_211 = arith.constant 0 : i32
        %dma_start3A_212 = tpu.memref_slice %arg10[%dma_start3A_207, %dma_start3A_211] : memref<4x120xi32, #tpu.memory_space<vmem>> -> memref<1x120xi32, #tpu.memory_space<vmem>>
        %dma_start3A_213 = tpu.memref_squeeze %dma_start3A_212 : memref<1x120xi32, #tpu.memory_space<vmem>> -> memref<120xi32, #tpu.memory_space<vmem>>
        %dma_start3A_214 = arith.constant 0 : i32
        %dma_start3A_215 = arith.constant 0 : i32
        %dma_start3A_216 = tpu.memref_slice %arg5[%dma_start3A_214, %dma_start3A_215] : memref<1000000x64xf32, #tpu.memory_space<hbm>> -> memref<1000000x64xf32, #tpu.memory_space<hbm>>
        tpu.enqueue_indirect_dma source(%dma_start3A_216 : memref<1000000x64xf32, #tpu.memory_space<hbm>>) target(%dma_start3A_210 : memref<120x64xf32, #tpu.memory_space<vmem>>) offsets(%dma_start3A_213 : memref<120xi32, #tpu.memory_space<vmem>>) semaphore(%arg18 : memref<!tpu.dma_semaphore, #tpu.memory_space<semaphore_mem>>)
        %dma_start3A_217 = arith.constant 2 : i32
        %dma_start3A_218 = arith.constant 240 : i32
        %dma_start3A_219 = arith.constant 0 : i32
        %dma_start3A_220 = tpu.memref_slice %arg14[%dma_start3A_218, %dma_start3A_219] : memref<480x64xf32, #tpu.memory_space<vmem>> -> memref<120x64xf32, #tpu.memory_space<vmem>>
        %dma_start3A_221 = arith.constant 0 : i32
        %dma_start3A_222 = tpu.memref_slice %arg10[%dma_start3A_217, %dma_start3A_221] : memref<4x120xi32, #tpu.memory_space<vmem>> -> memref<1x120xi32, #tpu.memory_space<vmem>>
        %dma_start3A_223 = tpu.memref_squeeze %dma_start3A_222 : memref<1x120xi32, #tpu.memory_space<vmem>> -> memref<120xi32, #tpu.memory_space<vmem>>
        %dma_start3A_224 = arith.constant 0 : i32
        %dma_start3A_225 = arith.constant 0 : i32
        %dma_start3A_226 = tpu.memref_slice %arg5[%dma_start3A_224, %dma_start3A_225] : memref<1000000x64xf32, #tpu.memory_space<hbm>> -> memref<1000000x64xf32, #tpu.memory_space<hbm>>
        tpu.enqueue_indirect_dma source(%dma_start3A_226 : memref<1000000x64xf32, #tpu.memory_space<hbm>>) target(%dma_start3A_220 : memref<120x64xf32, #tpu.memory_space<vmem>>) offsets(%dma_start3A_223 : memref<120xi32, #tpu.memory_space<vmem>>) semaphore(%arg18 : memref<!tpu.dma_semaphore, #tpu.memory_space<semaphore_mem>>)
        %dma_start3A_227 = arith.constant 3 : i32
        %dma_start3A_228 = arith.constant 360 : i32
        %dma_start3A_229 = arith.constant 0 : i32
        %dma_start3A_230 = tpu.memref_slice %arg14[%dma_start3A_228, %dma_start3A_229] : memref<480x64xf32, #tpu.memory_space<vmem>> -> memref<120x64xf32, #tpu.memory_space<vmem>>
        %dma_start3A_231 = arith.constant 0 : i32
        %dma_start3A_232 = tpu.memref_slice %arg10[%dma_start3A_227, %dma_start3A_231] : memref<4x120xi32, #tpu.memory_space<vmem>> -> memref<1x120xi32, #tpu.memory_space<vmem>>
        %dma_start3A_233 = tpu.memref_squeeze %dma_start3A_232 : memref<1x120xi32, #tpu.memory_space<vmem>> -> memref<120xi32, #tpu.memory_space<vmem>>
        %dma_start3A_234 = arith.constant 0 : i32
        %dma_start3A_235 = arith.constant 0 : i32
        %dma_start3A_236 = tpu.memref_slice %arg5[%dma_start3A_234, %dma_start3A_235] : memref<1000000x64xf32, #tpu.memory_space<hbm>> -> memref<1000000x64xf32, #tpu.memory_space<hbm>>
        tpu.enqueue_indirect_dma source(%dma_start3A_236 : memref<1000000x64xf32, #tpu.memory_space<hbm>>) target(%dma_start3A_230 : memref<120x64xf32, #tpu.memory_space<vmem>>) offsets(%dma_start3A_233 : memref<120xi32, #tpu.memory_space<vmem>>) semaphore(%arg18 : memref<!tpu.dma_semaphore, #tpu.memory_space<semaphore_mem>>)
      } else {
      }
      %scan3A_108 = arith.constant 0 : i32
      %scan3A_109 = arith.constant 0 : i32
      %scan3A_110 = arith.constant 32 : i32
      %scan3A_111 = arith.addi %scan3A_109, %scan3A_110 : i32
      %scan3A_112 = arith.constant 1 : i32
      scf.for %scan3A_182 = %scan3A_109 to %scan3A_111 step %scan3A_112  : i32 {
        %get3A = arith.index_cast %scan3A_182 : i32 to index
        %get3A_183 = arith.constant 0 : index
        %get3A_184 = tpu.vector_load %arg11[%get3A, %get3A_183] {strides = array<i32>} : memref<32x64xf32, #tpu.memory_space<vmem>>, vector<16xf32>,
        %get3A_185 = arith.index_cast %scan3A_182 : i32 to index
        %get3A_186 = arith.constant 16 : index
        %get3A_187 = tpu.vector_load %arg11[%get3A_185, %get3A_186] {strides = array<i32>} : memref<32x64xf32, #tpu.memory_space<vmem>>, vector<16xf32>,
        %get3A_188 = arith.index_cast %scan3A_182 : i32 to index
        %get3A_189 = arith.constant 32 : index
        %get3A_190 = tpu.vector_load %arg11[%get3A_188, %get3A_189] {strides = array<i32>} : memref<32x64xf32, #tpu.memory_space<vmem>>, vector<16xf32>,
        %get3A_191 = arith.index_cast %scan3A_182 : i32 to index
        %get3A_192 = arith.constant 48 : index
        %get3A_193 = tpu.vector_load %arg11[%get3A_191, %get3A_192] {strides = array<i32>} : memref<32x64xf32, #tpu.memory_space<vmem>>, vector<16xf32>,
        %broadcast_in_dim3A = arith.constant 0.000000e+00 : f32
        %broadcast_in_dim3A_194 = vector.broadcast %broadcast_in_dim3A : f32 to vector<16xf32>
        %mul3A_195 = arith.constant 15 : i32
        %mul3A_196 = arith.muli %scan3A_182, %mul3A_195 : i32
        %add3A_197 = arith.constant 0 : i32
        %add3A_198 = arith.addi %mul3A_196, %add3A_197 : i32
        %get3A_199 = arith.index_cast %add3A_198 : i32 to index
        %get3A_200 = arith.constant 0 : index
        %get3A_201 = tpu.vector_load %arg13[%get3A_199, %get3A_200] {strides = array<i32>} : memref<480x64xf32, #tpu.memory_space<vmem>>, vector<16xf32>,
        %mul3A_202 = arith.mulf %get3A_201, %get3A_184 : vector<16xf32>
        %get3A_203 = arith.index_cast %add3A_198 : i32 to index
        %get3A_204 = arith.constant 16 : index
        %get3A_205 = tpu.vector_load %arg13[%get3A_203, %get3A_204] {strides = array<i32>} : memref<480x64xf32, #tpu.memory_space<vmem>>, vector<16xf32>,
        %mul3A_206 = arith.mulf %get3A_205, %get3A_187 : vector<16xf32>
        %get3A_207 = arith.index_cast %add3A_198 : i32 to index
        %get3A_208 = arith.constant 32 : index
        %get3A_209 = tpu.vector_load %arg13[%get3A_207, %get3A_208] {strides = array<i32>} : memref<480x64xf32, #tpu.memory_space<vmem>>, vector<16xf32>,
        %mul3A_210 = arith.mulf %get3A_209, %get3A_190 : vector<16xf32>
        %get3A_211 = arith.index_cast %add3A_198 : i32 to index
        %get3A_212 = arith.constant 48 : index
        %get3A_213 = tpu.vector_load %arg13[%get3A_211, %get3A_212] {strides = array<i32>} : memref<480x64xf32, #tpu.memory_space<vmem>>, vector<16xf32>,
        %mul3A_214 = arith.mulf %get3A_213, %get3A_193 : vector<16xf32>
        %add3A_215 = arith.addf %mul3A_202, %mul3A_206 : vector<16xf32>
        %add3A_216 = arith.addf %mul3A_210, %mul3A_214 : vector<16xf32>
        %add3A_217 = arith.addf %add3A_215, %add3A_216 : vector<16xf32>
        %reduce_sum3A = arith.constant true
        %reduce_sum3A_218 = vector.broadcast %reduce_sum3A : i1 to vector<16xi1>
        %reduce_sum3A_219 = tpu.scan <sum>, %add3A_217 masked %reduce_sum3A_218 : vector<16xf32>, vector<16xi1> -> vector<16xf32>
        %reduce_sum3A_220 = vector.extract %reduce_sum3A_219[15] : f32 from vector<16xf32>
        %eq3A = arith.constant 0 : i32
        %eq3A_221 = vector.broadcast %eq3A : i32 to vector<16xi32>
        %eq3A_222 = arith.cmpi eq, %iota3A, %eq3A_221 : vector<16xi32>
        %broadcast_in_dim3A_223 = vector.broadcast %reduce_sum3A_220 : f32 to vector<16xf32>
        %select_n3A = arith.select %eq3A_222, %broadcast_in_dim3A_223, %broadcast_in_dim3A_194 : vector<16xi1>, vector<16xf32>
        %mul3A_224 = arith.constant 15 : i32
        %mul3A_225 = arith.muli %scan3A_182, %mul3A_224 : i32
        %add3A_226 = arith.constant 1 : i32
        %add3A_227 = arith.addi %mul3A_225, %add3A_226 : i32
        %get3A_228 = arith.index_cast %add3A_227 : i32 to index
        %get3A_229 = arith.constant 0 : index
        %get3A_230 = tpu.vector_load %arg13[%get3A_228, %get3A_229] {strides = array<i32>} : memref<480x64xf32, #tpu.memory_space<vmem>>, vector<16xf32>,
        %mul3A_231 = arith.mulf %get3A_230, %get3A_184 : vector<16xf32>
        %get3A_232 = arith.index_cast %add3A_227 : i32 to index
        %get3A_233 = arith.constant 16 : index
        %get3A_234 = tpu.vector_load %arg13[%get3A_232, %get3A_233] {strides = array<i32>} : memref<480x64xf32, #tpu.memory_space<vmem>>, vector<16xf32>,
        %mul3A_235 = arith.mulf %get3A_234, %get3A_187 : vector<16xf32>
        %get3A_236 = arith.index_cast %add3A_227 : i32 to index
        %get3A_237 = arith.constant 32 : index
        %get3A_238 = tpu.vector_load %arg13[%get3A_236, %get3A_237] {strides = array<i32>} : memref<480x64xf32, #tpu.memory_space<vmem>>, vector<16xf32>,
        %mul3A_239 = arith.mulf %get3A_238, %get3A_190 : vector<16xf32>
        %get3A_240 = arith.index_cast %add3A_227 : i32 to index
        %get3A_241 = arith.constant 48 : index
        %get3A_242 = tpu.vector_load %arg13[%get3A_240, %get3A_241] {strides = array<i32>} : memref<480x64xf32, #tpu.memory_space<vmem>>, vector<16xf32>,
        %mul3A_243 = arith.mulf %get3A_242, %get3A_193 : vector<16xf32>
        %add3A_244 = arith.addf %mul3A_231, %mul3A_235 : vector<16xf32>
        %add3A_245 = arith.addf %mul3A_239, %mul3A_243 : vector<16xf32>
        %add3A_246 = arith.addf %add3A_244, %add3A_245 : vector<16xf32>
        %reduce_sum3A_247 = arith.constant true
        %reduce_sum3A_248 = vector.broadcast %reduce_sum3A_247 : i1 to vector<16xi1>
        %reduce_sum3A_249 = tpu.scan <sum>, %add3A_246 masked %reduce_sum3A_248 : vector<16xf32>, vector<16xi1> -> vector<16xf32>
        %reduce_sum3A_250 = vector.extract %reduce_sum3A_249[15] : f32 from vector<16xf32>
        %eq3A_251 = arith.constant 1 : i32
        %eq3A_252 = vector.broadcast %eq3A_251 : i32 to vector<16xi32>
        %eq3A_253 = arith.cmpi eq, %iota3A, %eq3A_252 : vector<16xi32>
        %broadcast_in_dim3A_254 = vector.broadcast %reduce_sum3A_250 : f32 to vector<16xf32>
        %select_n3A_255 = arith.select %eq3A_253, %broadcast_in_dim3A_254, %select_n3A : vector<16xi1>, vector<16xf32>
        %mul3A_256 = arith.constant 15 : i32
        %mul3A_257 = arith.muli %scan3A_182, %mul3A_256 : i32
        %add3A_258 = arith.constant 2 : i32
        %add3A_259 = arith.addi %mul3A_257, %add3A_258 : i32
        %get3A_260 = arith.index_cast %add3A_259 : i32 to index
        %get3A_261 = arith.constant 0 : index
        %get3A_262 = tpu.vector_load %arg13[%get3A_260, %get3A_261] {strides = array<i32>} : memref<480x64xf32, #tpu.memory_space<vmem>>, vector<16xf32>,
        %mul3A_263 = arith.mulf %get3A_262, %get3A_184 : vector<16xf32>
        %get3A_264 = arith.index_cast %add3A_259 : i32 to index
        %get3A_265 = arith.constant 16 : index
        %get3A_266 = tpu.vector_load %arg13[%get3A_264, %get3A_265] {strides = array<i32>} : memref<480x64xf32, #tpu.memory_space<vmem>>, vector<16xf32>,
        %mul3A_267 = arith.mulf %get3A_266, %get3A_187 : vector<16xf32>
        %get3A_268 = arith.index_cast %add3A_259 : i32 to index
        %get3A_269 = arith.constant 32 : index
        %get3A_270 = tpu.vector_load %arg13[%get3A_268, %get3A_269] {strides = array<i32>} : memref<480x64xf32, #tpu.memory_space<vmem>>, vector<16xf32>,
        %mul3A_271 = arith.mulf %get3A_270, %get3A_190 : vector<16xf32>
        %get3A_272 = arith.index_cast %add3A_259 : i32 to index
        %get3A_273 = arith.constant 48 : index
        %get3A_274 = tpu.vector_load %arg13[%get3A_272, %get3A_273] {strides = array<i32>} : memref<480x64xf32, #tpu.memory_space<vmem>>, vector<16xf32>,
        %mul3A_275 = arith.mulf %get3A_274, %get3A_193 : vector<16xf32>
        %add3A_276 = arith.addf %mul3A_263, %mul3A_267 : vector<16xf32>
        %add3A_277 = arith.addf %mul3A_271, %mul3A_275 : vector<16xf32>
        %add3A_278 = arith.addf %add3A_276, %add3A_277 : vector<16xf32>
        %reduce_sum3A_279 = arith.constant true
        %reduce_sum3A_280 = vector.broadcast %reduce_sum3A_279 : i1 to vector<16xi1>
        %reduce_sum3A_281 = tpu.scan <sum>, %add3A_278 masked %reduce_sum3A_280 : vector<16xf32>, vector<16xi1> -> vector<16xf32>
        %reduce_sum3A_282 = vector.extract %reduce_sum3A_281[15] : f32 from vector<16xf32>
        %eq3A_283 = arith.constant 2 : i32
        %eq3A_284 = vector.broadcast %eq3A_283 : i32 to vector<16xi32>
        %eq3A_285 = arith.cmpi eq, %iota3A, %eq3A_284 : vector<16xi32>
        %broadcast_in_dim3A_286 = vector.broadcast %reduce_sum3A_282 : f32 to vector<16xf32>
        %select_n3A_287 = arith.select %eq3A_285, %broadcast_in_dim3A_286, %select_n3A_255 : vector<16xi1>, vector<16xf32>
        %mul3A_288 = arith.constant 15 : i32
        %mul3A_289 = arith.muli %scan3A_182, %mul3A_288 : i32
        %add3A_290 = arith.constant 3 : i32
        %add3A_291 = arith.addi %mul3A_289, %add3A_290 : i32
        %get3A_292 = arith.index_cast %add3A_291 : i32 to index
        %get3A_293 = arith.constant 0 : index
        %get3A_294 = tpu.vector_load %arg13[%get3A_292, %get3A_293] {strides = array<i32>} : memref<480x64xf32, #tpu.memory_space<vmem>>, vector<16xf32>,
        %mul3A_295 = arith.mulf %get3A_294, %get3A_184 : vector<16xf32>
        %get3A_296 = arith.index_cast %add3A_291 : i32 to index
        %get3A_297 = arith.constant 16 : index
        %get3A_298 = tpu.vector_load %arg13[%get3A_296, %get3A_297] {strides = array<i32>} : memref<480x64xf32, #tpu.memory_space<vmem>>, vector<16xf32>,
        %mul3A_299 = arith.mulf %get3A_298, %get3A_187 : vector<16xf32>
        %get3A_300 = arith.index_cast %add3A_291 : i32 to index
        %get3A_301 = arith.constant 32 : index
        %get3A_302 = tpu.vector_load %arg13[%get3A_300, %get3A_301] {strides = array<i32>} : memref<480x64xf32, #tpu.memory_space<vmem>>, vector<16xf32>,
        %mul3A_303 = arith.mulf %get3A_302, %get3A_190 : vector<16xf32>
        %get3A_304 = arith.index_cast %add3A_291 : i32 to index
        %get3A_305 = arith.constant 48 : index
        %get3A_306 = tpu.vector_load %arg13[%get3A_304, %get3A_305] {strides = array<i32>} : memref<480x64xf32, #tpu.memory_space<vmem>>, vector<16xf32>,
        %mul3A_307 = arith.mulf %get3A_306, %get3A_193 : vector<16xf32>
        %add3A_308 = arith.addf %mul3A_295, %mul3A_299 : vector<16xf32>
        %add3A_309 = arith.addf %mul3A_303, %mul3A_307 : vector<16xf32>
        %add3A_310 = arith.addf %add3A_308, %add3A_309 : vector<16xf32>
        %reduce_sum3A_311 = arith.constant true
        %reduce_sum3A_312 = vector.broadcast %reduce_sum3A_311 : i1 to vector<16xi1>
        %reduce_sum3A_313 = tpu.scan <sum>, %add3A_310 masked %reduce_sum3A_312 : vector<16xf32>, vector<16xi1> -> vector<16xf32>
        %reduce_sum3A_314 = vector.extract %reduce_sum3A_313[15] : f32 from vector<16xf32>
        %eq3A_315 = arith.constant 3 : i32
        %eq3A_316 = vector.broadcast %eq3A_315 : i32 to vector<16xi32>
        %eq3A_317 = arith.cmpi eq, %iota3A, %eq3A_316 : vector<16xi32>
        %broadcast_in_dim3A_318 = vector.broadcast %reduce_sum3A_314 : f32 to vector<16xf32>
        %select_n3A_319 = arith.select %eq3A_317, %broadcast_in_dim3A_318, %select_n3A_287 : vector<16xi1>, vector<16xf32>
        %mul3A_320 = arith.constant 15 : i32
        %mul3A_321 = arith.muli %scan3A_182, %mul3A_320 : i32
        %add3A_322 = arith.constant 4 : i32
        %add3A_323 = arith.addi %mul3A_321, %add3A_322 : i32
        %get3A_324 = arith.index_cast %add3A_323 : i32 to index
        %get3A_325 = arith.constant 0 : index
        %get3A_326 = tpu.vector_load %arg13[%get3A_324, %get3A_325] {strides = array<i32>} : memref<480x64xf32, #tpu.memory_space<vmem>>, vector<16xf32>,
        %mul3A_327 = arith.mulf %get3A_326, %get3A_184 : vector<16xf32>
        %get3A_328 = arith.index_cast %add3A_323 : i32 to index
        %get3A_329 = arith.constant 16 : index
        %get3A_330 = tpu.vector_load %arg13[%get3A_328, %get3A_329] {strides = array<i32>} : memref<480x64xf32, #tpu.memory_space<vmem>>, vector<16xf32>,
        %mul3A_331 = arith.mulf %get3A_330, %get3A_187 : vector<16xf32>
        %get3A_332 = arith.index_cast %add3A_323 : i32 to index
        %get3A_333 = arith.constant 32 : index
        %get3A_334 = tpu.vector_load %arg13[%get3A_332, %get3A_333] {strides = array<i32>} : memref<480x64xf32, #tpu.memory_space<vmem>>, vector<16xf32>,
        %mul3A_335 = arith.mulf %get3A_334, %get3A_190 : vector<16xf32>
        %get3A_336 = arith.index_cast %add3A_323 : i32 to index
        %get3A_337 = arith.constant 48 : index
        %get3A_338 = tpu.vector_load %arg13[%get3A_336, %get3A_337] {strides = array<i32>} : memref<480x64xf32, #tpu.memory_space<vmem>>, vector<16xf32>,
        %mul3A_339 = arith.mulf %get3A_338, %get3A_193 : vector<16xf32>
        %add3A_340 = arith.addf %mul3A_327, %mul3A_331 : vector<16xf32>
        %add3A_341 = arith.addf %mul3A_335, %mul3A_339 : vector<16xf32>
        %add3A_342 = arith.addf %add3A_340, %add3A_341 : vector<16xf32>
        %reduce_sum3A_343 = arith.constant true
        %reduce_sum3A_344 = vector.broadcast %reduce_sum3A_343 : i1 to vector<16xi1>
        %reduce_sum3A_345 = tpu.scan <sum>, %add3A_342 masked %reduce_sum3A_344 : vector<16xf32>, vector<16xi1> -> vector<16xf32>
        %reduce_sum3A_346 = vector.extract %reduce_sum3A_345[15] : f32 from vector<16xf32>
        %eq3A_347 = arith.constant 4 : i32
        %eq3A_348 = vector.broadcast %eq3A_347 : i32 to vector<16xi32>
        %eq3A_349 = arith.cmpi eq, %iota3A, %eq3A_348 : vector<16xi32>
        %broadcast_in_dim3A_350 = vector.broadcast %reduce_sum3A_346 : f32 to vector<16xf32>
        %select_n3A_351 = arith.select %eq3A_349, %broadcast_in_dim3A_350, %select_n3A_319 : vector<16xi1>, vector<16xf32>
        %mul3A_352 = arith.constant 15 : i32
        %mul3A_353 = arith.muli %scan3A_182, %mul3A_352 : i32
        %add3A_354 = arith.constant 5 : i32
        %add3A_355 = arith.addi %mul3A_353, %add3A_354 : i32
        %get3A_356 = arith.index_cast %add3A_355 : i32 to index
        %get3A_357 = arith.constant 0 : index
        %get3A_358 = tpu.vector_load %arg13[%get3A_356, %get3A_357] {strides = array<i32>} : memref<480x64xf32, #tpu.memory_space<vmem>>, vector<16xf32>,
        %mul3A_359 = arith.mulf %get3A_358, %get3A_184 : vector<16xf32>
        %get3A_360 = arith.index_cast %add3A_355 : i32 to index
        %get3A_361 = arith.constant 16 : index
        %get3A_362 = tpu.vector_load %arg13[%get3A_360, %get3A_361] {strides = array<i32>} : memref<480x64xf32, #tpu.memory_space<vmem>>, vector<16xf32>,
        %mul3A_363 = arith.mulf %get3A_362, %get3A_187 : vector<16xf32>
        %get3A_364 = arith.index_cast %add3A_355 : i32 to index
        %get3A_365 = arith.constant 32 : index
        %get3A_366 = tpu.vector_load %arg13[%get3A_364, %get3A_365] {strides = array<i32>} : memref<480x64xf32, #tpu.memory_space<vmem>>, vector<16xf32>,
        %mul3A_367 = arith.mulf %get3A_366, %get3A_190 : vector<16xf32>
        %get3A_368 = arith.index_cast %add3A_355 : i32 to index
        %get3A_369 = arith.constant 48 : index
        %get3A_370 = tpu.vector_load %arg13[%get3A_368, %get3A_369] {strides = array<i32>} : memref<480x64xf32, #tpu.memory_space<vmem>>, vector<16xf32>,
        %mul3A_371 = arith.mulf %get3A_370, %get3A_193 : vector<16xf32>
        %add3A_372 = arith.addf %mul3A_359, %mul3A_363 : vector<16xf32>
        %add3A_373 = arith.addf %mul3A_367, %mul3A_371 : vector<16xf32>
        %add3A_374 = arith.addf %add3A_372, %add3A_373 : vector<16xf32>
        %reduce_sum3A_375 = arith.constant true
        %reduce_sum3A_376 = vector.broadcast %reduce_sum3A_375 : i1 to vector<16xi1>
        %reduce_sum3A_377 = tpu.scan <sum>, %add3A_374 masked %reduce_sum3A_376 : vector<16xf32>, vector<16xi1> -> vector<16xf32>
        %reduce_sum3A_378 = vector.extract %reduce_sum3A_377[15] : f32 from vector<16xf32>
        %eq3A_379 = arith.constant 5 : i32
        %eq3A_380 = vector.broadcast %eq3A_379 : i32 to vector<16xi32>
        %eq3A_381 = arith.cmpi eq, %iota3A, %eq3A_380 : vector<16xi32>
        %broadcast_in_dim3A_382 = vector.broadcast %reduce_sum3A_378 : f32 to vector<16xf32>
        %select_n3A_383 = arith.select %eq3A_381, %broadcast_in_dim3A_382, %select_n3A_351 : vector<16xi1>, vector<16xf32>
        %mul3A_384 = arith.constant 15 : i32
        %mul3A_385 = arith.muli %scan3A_182, %mul3A_384 : i32
        %add3A_386 = arith.constant 6 : i32
        %add3A_387 = arith.addi %mul3A_385, %add3A_386 : i32
        %get3A_388 = arith.index_cast %add3A_387 : i32 to index
        %get3A_389 = arith.constant 0 : index
        %get3A_390 = tpu.vector_load %arg13[%get3A_388, %get3A_389] {strides = array<i32>} : memref<480x64xf32, #tpu.memory_space<vmem>>, vector<16xf32>,
        %mul3A_391 = arith.mulf %get3A_390, %get3A_184 : vector<16xf32>
        %get3A_392 = arith.index_cast %add3A_387 : i32 to index
        %get3A_393 = arith.constant 16 : index
        %get3A_394 = tpu.vector_load %arg13[%get3A_392, %get3A_393] {strides = array<i32>} : memref<480x64xf32, #tpu.memory_space<vmem>>, vector<16xf32>,
        %mul3A_395 = arith.mulf %get3A_394, %get3A_187 : vector<16xf32>
        %get3A_396 = arith.index_cast %add3A_387 : i32 to index
        %get3A_397 = arith.constant 32 : index
        %get3A_398 = tpu.vector_load %arg13[%get3A_396, %get3A_397] {strides = array<i32>} : memref<480x64xf32, #tpu.memory_space<vmem>>, vector<16xf32>,
        %mul3A_399 = arith.mulf %get3A_398, %get3A_190 : vector<16xf32>
        %get3A_400 = arith.index_cast %add3A_387 : i32 to index
        %get3A_401 = arith.constant 48 : index
        %get3A_402 = tpu.vector_load %arg13[%get3A_400, %get3A_401] {strides = array<i32>} : memref<480x64xf32, #tpu.memory_space<vmem>>, vector<16xf32>,
        %mul3A_403 = arith.mulf %get3A_402, %get3A_193 : vector<16xf32>
        %add3A_404 = arith.addf %mul3A_391, %mul3A_395 : vector<16xf32>
        %add3A_405 = arith.addf %mul3A_399, %mul3A_403 : vector<16xf32>
        %add3A_406 = arith.addf %add3A_404, %add3A_405 : vector<16xf32>
        %reduce_sum3A_407 = arith.constant true
        %reduce_sum3A_408 = vector.broadcast %reduce_sum3A_407 : i1 to vector<16xi1>
        %reduce_sum3A_409 = tpu.scan <sum>, %add3A_406 masked %reduce_sum3A_408 : vector<16xf32>, vector<16xi1> -> vector<16xf32>
        %reduce_sum3A_410 = vector.extract %reduce_sum3A_409[15] : f32 from vector<16xf32>
        %eq3A_411 = arith.constant 6 : i32
        %eq3A_412 = vector.broadcast %eq3A_411 : i32 to vector<16xi32>
        %eq3A_413 = arith.cmpi eq, %iota3A, %eq3A_412 : vector<16xi32>
        %broadcast_in_dim3A_414 = vector.broadcast %reduce_sum3A_410 : f32 to vector<16xf32>
        %select_n3A_415 = arith.select %eq3A_413, %broadcast_in_dim3A_414, %select_n3A_383 : vector<16xi1>, vector<16xf32>
        %mul3A_416 = arith.constant 15 : i32
        %mul3A_417 = arith.muli %scan3A_182, %mul3A_416 : i32
        %add3A_418 = arith.constant 7 : i32
        %add3A_419 = arith.addi %mul3A_417, %add3A_418 : i32
        %get3A_420 = arith.index_cast %add3A_419 : i32 to index
        %get3A_421 = arith.constant 0 : index
        %get3A_422 = tpu.vector_load %arg13[%get3A_420, %get3A_421] {strides = array<i32>} : memref<480x64xf32, #tpu.memory_space<vmem>>, vector<16xf32>,
        %mul3A_423 = arith.mulf %get3A_422, %get3A_184 : vector<16xf32>
        %get3A_424 = arith.index_cast %add3A_419 : i32 to index
        %get3A_425 = arith.constant 16 : index
        %get3A_426 = tpu.vector_load %arg13[%get3A_424, %get3A_425] {strides = array<i32>} : memref<480x64xf32, #tpu.memory_space<vmem>>, vector<16xf32>,
        %mul3A_427 = arith.mulf %get3A_426, %get3A_187 : vector<16xf32>
        %get3A_428 = arith.index_cast %add3A_419 : i32 to index
        %get3A_429 = arith.constant 32 : index
        %get3A_430 = tpu.vector_load %arg13[%get3A_428, %get3A_429] {strides = array<i32>} : memref<480x64xf32, #tpu.memory_space<vmem>>, vector<16xf32>,
        %mul3A_431 = arith.mulf %get3A_430, %get3A_190 : vector<16xf32>
        %get3A_432 = arith.index_cast %add3A_419 : i32 to index
        %get3A_433 = arith.constant 48 : index
        %get3A_434 = tpu.vector_load %arg13[%get3A_432, %get3A_433] {strides = array<i32>} : memref<480x64xf32, #tpu.memory_space<vmem>>, vector<16xf32>,
        %mul3A_435 = arith.mulf %get3A_434, %get3A_193 : vector<16xf32>
        %add3A_436 = arith.addf %mul3A_423, %mul3A_427 : vector<16xf32>
        %add3A_437 = arith.addf %mul3A_431, %mul3A_435 : vector<16xf32>
        %add3A_438 = arith.addf %add3A_436, %add3A_437 : vector<16xf32>
        %reduce_sum3A_439 = arith.constant true
        %reduce_sum3A_440 = vector.broadcast %reduce_sum3A_439 : i1 to vector<16xi1>
        %reduce_sum3A_441 = tpu.scan <sum>, %add3A_438 masked %reduce_sum3A_440 : vector<16xf32>, vector<16xi1> -> vector<16xf32>
        %reduce_sum3A_442 = vector.extract %reduce_sum3A_441[15] : f32 from vector<16xf32>
        %eq3A_443 = arith.constant 7 : i32
        %eq3A_444 = vector.broadcast %eq3A_443 : i32 to vector<16xi32>
        %eq3A_445 = arith.cmpi eq, %iota3A, %eq3A_444 : vector<16xi32>
        %broadcast_in_dim3A_446 = vector.broadcast %reduce_sum3A_442 : f32 to vector<16xf32>
        %select_n3A_447 = arith.select %eq3A_445, %broadcast_in_dim3A_446, %select_n3A_415 : vector<16xi1>, vector<16xf32>
        %mul3A_448 = arith.constant 15 : i32
        %mul3A_449 = arith.muli %scan3A_182, %mul3A_448 : i32
        %add3A_450 = arith.constant 8 : i32
        %add3A_451 = arith.addi %mul3A_449, %add3A_450 : i32
        %get3A_452 = arith.index_cast %add3A_451 : i32 to index
        %get3A_453 = arith.constant 0 : index
        %get3A_454 = tpu.vector_load %arg13[%get3A_452, %get3A_453] {strides = array<i32>} : memref<480x64xf32, #tpu.memory_space<vmem>>, vector<16xf32>,
        %mul3A_455 = arith.mulf %get3A_454, %get3A_184 : vector<16xf32>
        %get3A_456 = arith.index_cast %add3A_451 : i32 to index
        %get3A_457 = arith.constant 16 : index
        %get3A_458 = tpu.vector_load %arg13[%get3A_456, %get3A_457] {strides = array<i32>} : memref<480x64xf32, #tpu.memory_space<vmem>>, vector<16xf32>,
        %mul3A_459 = arith.mulf %get3A_458, %get3A_187 : vector<16xf32>
        %get3A_460 = arith.index_cast %add3A_451 : i32 to index
        %get3A_461 = arith.constant 32 : index
        %get3A_462 = tpu.vector_load %arg13[%get3A_460, %get3A_461] {strides = array<i32>} : memref<480x64xf32, #tpu.memory_space<vmem>>, vector<16xf32>,
        %mul3A_463 = arith.mulf %get3A_462, %get3A_190 : vector<16xf32>
        %get3A_464 = arith.index_cast %add3A_451 : i32 to index
        %get3A_465 = arith.constant 48 : index
        %get3A_466 = tpu.vector_load %arg13[%get3A_464, %get3A_465] {strides = array<i32>} : memref<480x64xf32, #tpu.memory_space<vmem>>, vector<16xf32>,
        %mul3A_467 = arith.mulf %get3A_466, %get3A_193 : vector<16xf32>
        %add3A_468 = arith.addf %mul3A_455, %mul3A_459 : vector<16xf32>
        %add3A_469 = arith.addf %mul3A_463, %mul3A_467 : vector<16xf32>
        %add3A_470 = arith.addf %add3A_468, %add3A_469 : vector<16xf32>
        %reduce_sum3A_471 = arith.constant true
        %reduce_sum3A_472 = vector.broadcast %reduce_sum3A_471 : i1 to vector<16xi1>
        %reduce_sum3A_473 = tpu.scan <sum>, %add3A_470 masked %reduce_sum3A_472 : vector<16xf32>, vector<16xi1> -> vector<16xf32>
        %reduce_sum3A_474 = vector.extract %reduce_sum3A_473[15] : f32 from vector<16xf32>
        %eq3A_475 = arith.constant 8 : i32
        %eq3A_476 = vector.broadcast %eq3A_475 : i32 to vector<16xi32>
        %eq3A_477 = arith.cmpi eq, %iota3A, %eq3A_476 : vector<16xi32>
        %broadcast_in_dim3A_478 = vector.broadcast %reduce_sum3A_474 : f32 to vector<16xf32>
        %select_n3A_479 = arith.select %eq3A_477, %broadcast_in_dim3A_478, %select_n3A_447 : vector<16xi1>, vector<16xf32>
        %mul3A_480 = arith.constant 15 : i32
        %mul3A_481 = arith.muli %scan3A_182, %mul3A_480 : i32
        %add3A_482 = arith.constant 9 : i32
        %add3A_483 = arith.addi %mul3A_481, %add3A_482 : i32
        %get3A_484 = arith.index_cast %add3A_483 : i32 to index
        %get3A_485 = arith.constant 0 : index
        %get3A_486 = tpu.vector_load %arg13[%get3A_484, %get3A_485] {strides = array<i32>} : memref<480x64xf32, #tpu.memory_space<vmem>>, vector<16xf32>,
        %mul3A_487 = arith.mulf %get3A_486, %get3A_184 : vector<16xf32>
        %get3A_488 = arith.index_cast %add3A_483 : i32 to index
        %get3A_489 = arith.constant 16 : index
        %get3A_490 = tpu.vector_load %arg13[%get3A_488, %get3A_489] {strides = array<i32>} : memref<480x64xf32, #tpu.memory_space<vmem>>, vector<16xf32>,
        %mul3A_491 = arith.mulf %get3A_490, %get3A_187 : vector<16xf32>
        %get3A_492 = arith.index_cast %add3A_483 : i32 to index
        %get3A_493 = arith.constant 32 : index
        %get3A_494 = tpu.vector_load %arg13[%get3A_492, %get3A_493] {strides = array<i32>} : memref<480x64xf32, #tpu.memory_space<vmem>>, vector<16xf32>,
        %mul3A_495 = arith.mulf %get3A_494, %get3A_190 : vector<16xf32>
        %get3A_496 = arith.index_cast %add3A_483 : i32 to index
        %get3A_497 = arith.constant 48 : index
        %get3A_498 = tpu.vector_load %arg13[%get3A_496, %get3A_497] {strides = array<i32>} : memref<480x64xf32, #tpu.memory_space<vmem>>, vector<16xf32>,
        %mul3A_499 = arith.mulf %get3A_498, %get3A_193 : vector<16xf32>
        %add3A_500 = arith.addf %mul3A_487, %mul3A_491 : vector<16xf32>
        %add3A_501 = arith.addf %mul3A_495, %mul3A_499 : vector<16xf32>
        %add3A_502 = arith.addf %add3A_500, %add3A_501 : vector<16xf32>
        %reduce_sum3A_503 = arith.constant true
        %reduce_sum3A_504 = vector.broadcast %reduce_sum3A_503 : i1 to vector<16xi1>
        %reduce_sum3A_505 = tpu.scan <sum>, %add3A_502 masked %reduce_sum3A_504 : vector<16xf32>, vector<16xi1> -> vector<16xf32>
        %reduce_sum3A_506 = vector.extract %reduce_sum3A_505[15] : f32 from vector<16xf32>
        %eq3A_507 = arith.constant 9 : i32
        %eq3A_508 = vector.broadcast %eq3A_507 : i32 to vector<16xi32>
        %eq3A_509 = arith.cmpi eq, %iota3A, %eq3A_508 : vector<16xi32>
        %broadcast_in_dim3A_510 = vector.broadcast %reduce_sum3A_506 : f32 to vector<16xf32>
        %select_n3A_511 = arith.select %eq3A_509, %broadcast_in_dim3A_510, %select_n3A_479 : vector<16xi1>, vector<16xf32>
        %mul3A_512 = arith.constant 15 : i32
        %mul3A_513 = arith.muli %scan3A_182, %mul3A_512 : i32
        %add3A_514 = arith.constant 10 : i32
        %add3A_515 = arith.addi %mul3A_513, %add3A_514 : i32
        %get3A_516 = arith.index_cast %add3A_515 : i32 to index
        %get3A_517 = arith.constant 0 : index
        %get3A_518 = tpu.vector_load %arg13[%get3A_516, %get3A_517] {strides = array<i32>} : memref<480x64xf32, #tpu.memory_space<vmem>>, vector<16xf32>,
        %mul3A_519 = arith.mulf %get3A_518, %get3A_184 : vector<16xf32>
        %get3A_520 = arith.index_cast %add3A_515 : i32 to index
        %get3A_521 = arith.constant 16 : index
        %get3A_522 = tpu.vector_load %arg13[%get3A_520, %get3A_521] {strides = array<i32>} : memref<480x64xf32, #tpu.memory_space<vmem>>, vector<16xf32>,
        %mul3A_523 = arith.mulf %get3A_522, %get3A_187 : vector<16xf32>
        %get3A_524 = arith.index_cast %add3A_515 : i32 to index
        %get3A_525 = arith.constant 32 : index
        %get3A_526 = tpu.vector_load %arg13[%get3A_524, %get3A_525] {strides = array<i32>} : memref<480x64xf32, #tpu.memory_space<vmem>>, vector<16xf32>,
        %mul3A_527 = arith.mulf %get3A_526, %get3A_190 : vector<16xf32>
        %get3A_528 = arith.index_cast %add3A_515 : i32 to index
        %get3A_529 = arith.constant 48 : index
        %get3A_530 = tpu.vector_load %arg13[%get3A_528, %get3A_529] {strides = array<i32>} : memref<480x64xf32, #tpu.memory_space<vmem>>, vector<16xf32>,
        %mul3A_531 = arith.mulf %get3A_530, %get3A_193 : vector<16xf32>
        %add3A_532 = arith.addf %mul3A_519, %mul3A_523 : vector<16xf32>
        %add3A_533 = arith.addf %mul3A_527, %mul3A_531 : vector<16xf32>
        %add3A_534 = arith.addf %add3A_532, %add3A_533 : vector<16xf32>
        %reduce_sum3A_535 = arith.constant true
        %reduce_sum3A_536 = vector.broadcast %reduce_sum3A_535 : i1 to vector<16xi1>
        %reduce_sum3A_537 = tpu.scan <sum>, %add3A_534 masked %reduce_sum3A_536 : vector<16xf32>, vector<16xi1> -> vector<16xf32>
        %reduce_sum3A_538 = vector.extract %reduce_sum3A_537[15] : f32 from vector<16xf32>
        %eq3A_539 = arith.constant 10 : i32
        %eq3A_540 = vector.broadcast %eq3A_539 : i32 to vector<16xi32>
        %eq3A_541 = arith.cmpi eq, %iota3A, %eq3A_540 : vector<16xi32>
        %broadcast_in_dim3A_542 = vector.broadcast %reduce_sum3A_538 : f32 to vector<16xf32>
        %select_n3A_543 = arith.select %eq3A_541, %broadcast_in_dim3A_542, %select_n3A_511 : vector<16xi1>, vector<16xf32>
        %mul3A_544 = arith.constant 15 : i32
        %mul3A_545 = arith.muli %scan3A_182, %mul3A_544 : i32
        %add3A_546 = arith.constant 11 : i32
        %add3A_547 = arith.addi %mul3A_545, %add3A_546 : i32
        %get3A_548 = arith.index_cast %add3A_547 : i32 to index
        %get3A_549 = arith.constant 0 : index
        %get3A_550 = tpu.vector_load %arg13[%get3A_548, %get3A_549] {strides = array<i32>} : memref<480x64xf32, #tpu.memory_space<vmem>>, vector<16xf32>,
        %mul3A_551 = arith.mulf %get3A_550, %get3A_184 : vector<16xf32>
        %get3A_552 = arith.index_cast %add3A_547 : i32 to index
        %get3A_553 = arith.constant 16 : index
        %get3A_554 = tpu.vector_load %arg13[%get3A_552, %get3A_553] {strides = array<i32>} : memref<480x64xf32, #tpu.memory_space<vmem>>, vector<16xf32>,
        %mul3A_555 = arith.mulf %get3A_554, %get3A_187 : vector<16xf32>
        %get3A_556 = arith.index_cast %add3A_547 : i32 to index
        %get3A_557 = arith.constant 32 : index
        %get3A_558 = tpu.vector_load %arg13[%get3A_556, %get3A_557] {strides = array<i32>} : memref<480x64xf32, #tpu.memory_space<vmem>>, vector<16xf32>,
        %mul3A_559 = arith.mulf %get3A_558, %get3A_190 : vector<16xf32>
        %get3A_560 = arith.index_cast %add3A_547 : i32 to index
        %get3A_561 = arith.constant 48 : index
        %get3A_562 = tpu.vector_load %arg13[%get3A_560, %get3A_561] {strides = array<i32>} : memref<480x64xf32, #tpu.memory_space<vmem>>, vector<16xf32>,
        %mul3A_563 = arith.mulf %get3A_562, %get3A_193 : vector<16xf32>
        %add3A_564 = arith.addf %mul3A_551, %mul3A_555 : vector<16xf32>
        %add3A_565 = arith.addf %mul3A_559, %mul3A_563 : vector<16xf32>
        %add3A_566 = arith.addf %add3A_564, %add3A_565 : vector<16xf32>
        %reduce_sum3A_567 = arith.constant true
        %reduce_sum3A_568 = vector.broadcast %reduce_sum3A_567 : i1 to vector<16xi1>
        %reduce_sum3A_569 = tpu.scan <sum>, %add3A_566 masked %reduce_sum3A_568 : vector<16xf32>, vector<16xi1> -> vector<16xf32>
        %reduce_sum3A_570 = vector.extract %reduce_sum3A_569[15] : f32 from vector<16xf32>
        %eq3A_571 = arith.constant 11 : i32
        %eq3A_572 = vector.broadcast %eq3A_571 : i32 to vector<16xi32>
        %eq3A_573 = arith.cmpi eq, %iota3A, %eq3A_572 : vector<16xi32>
        %broadcast_in_dim3A_574 = vector.broadcast %reduce_sum3A_570 : f32 to vector<16xf32>
        %select_n3A_575 = arith.select %eq3A_573, %broadcast_in_dim3A_574, %select_n3A_543 : vector<16xi1>, vector<16xf32>
        %mul3A_576 = arith.constant 15 : i32
        %mul3A_577 = arith.muli %scan3A_182, %mul3A_576 : i32
        %add3A_578 = arith.constant 12 : i32
        %add3A_579 = arith.addi %mul3A_577, %add3A_578 : i32
        %get3A_580 = arith.index_cast %add3A_579 : i32 to index
        %get3A_581 = arith.constant 0 : index
        %get3A_582 = tpu.vector_load %arg13[%get3A_580, %get3A_581] {strides = array<i32>} : memref<480x64xf32, #tpu.memory_space<vmem>>, vector<16xf32>,
        %mul3A_583 = arith.mulf %get3A_582, %get3A_184 : vector<16xf32>
        %get3A_584 = arith.index_cast %add3A_579 : i32 to index
        %get3A_585 = arith.constant 16 : index
        %get3A_586 = tpu.vector_load %arg13[%get3A_584, %get3A_585] {strides = array<i32>} : memref<480x64xf32, #tpu.memory_space<vmem>>, vector<16xf32>,
        %mul3A_587 = arith.mulf %get3A_586, %get3A_187 : vector<16xf32>
        %get3A_588 = arith.index_cast %add3A_579 : i32 to index
        %get3A_589 = arith.constant 32 : index
        %get3A_590 = tpu.vector_load %arg13[%get3A_588, %get3A_589] {strides = array<i32>} : memref<480x64xf32, #tpu.memory_space<vmem>>, vector<16xf32>,
        %mul3A_591 = arith.mulf %get3A_590, %get3A_190 : vector<16xf32>
        %get3A_592 = arith.index_cast %add3A_579 : i32 to index
        %get3A_593 = arith.constant 48 : index
        %get3A_594 = tpu.vector_load %arg13[%get3A_592, %get3A_593] {strides = array<i32>} : memref<480x64xf32, #tpu.memory_space<vmem>>, vector<16xf32>,
        %mul3A_595 = arith.mulf %get3A_594, %get3A_193 : vector<16xf32>
        %add3A_596 = arith.addf %mul3A_583, %mul3A_587 : vector<16xf32>
        %add3A_597 = arith.addf %mul3A_591, %mul3A_595 : vector<16xf32>
        %add3A_598 = arith.addf %add3A_596, %add3A_597 : vector<16xf32>
        %reduce_sum3A_599 = arith.constant true
        %reduce_sum3A_600 = vector.broadcast %reduce_sum3A_599 : i1 to vector<16xi1>
        %reduce_sum3A_601 = tpu.scan <sum>, %add3A_598 masked %reduce_sum3A_600 : vector<16xf32>, vector<16xi1> -> vector<16xf32>
        %reduce_sum3A_602 = vector.extract %reduce_sum3A_601[15] : f32 from vector<16xf32>
        %eq3A_603 = arith.constant 12 : i32
        %eq3A_604 = vector.broadcast %eq3A_603 : i32 to vector<16xi32>
        %eq3A_605 = arith.cmpi eq, %iota3A, %eq3A_604 : vector<16xi32>
        %broadcast_in_dim3A_606 = vector.broadcast %reduce_sum3A_602 : f32 to vector<16xf32>
        %select_n3A_607 = arith.select %eq3A_605, %broadcast_in_dim3A_606, %select_n3A_575 : vector<16xi1>, vector<16xf32>
        %mul3A_608 = arith.constant 15 : i32
        %mul3A_609 = arith.muli %scan3A_182, %mul3A_608 : i32
        %add3A_610 = arith.constant 13 : i32
        %add3A_611 = arith.addi %mul3A_609, %add3A_610 : i32
        %get3A_612 = arith.index_cast %add3A_611 : i32 to index
        %get3A_613 = arith.constant 0 : index
        %get3A_614 = tpu.vector_load %arg13[%get3A_612, %get3A_613] {strides = array<i32>} : memref<480x64xf32, #tpu.memory_space<vmem>>, vector<16xf32>,
        %mul3A_615 = arith.mulf %get3A_614, %get3A_184 : vector<16xf32>
        %get3A_616 = arith.index_cast %add3A_611 : i32 to index
        %get3A_617 = arith.constant 16 : index
        %get3A_618 = tpu.vector_load %arg13[%get3A_616, %get3A_617] {strides = array<i32>} : memref<480x64xf32, #tpu.memory_space<vmem>>, vector<16xf32>,
        %mul3A_619 = arith.mulf %get3A_618, %get3A_187 : vector<16xf32>
        %get3A_620 = arith.index_cast %add3A_611 : i32 to index
        %get3A_621 = arith.constant 32 : index
        %get3A_622 = tpu.vector_load %arg13[%get3A_620, %get3A_621] {strides = array<i32>} : memref<480x64xf32, #tpu.memory_space<vmem>>, vector<16xf32>,
        %mul3A_623 = arith.mulf %get3A_622, %get3A_190 : vector<16xf32>
        %get3A_624 = arith.index_cast %add3A_611 : i32 to index
        %get3A_625 = arith.constant 48 : index
        %get3A_626 = tpu.vector_load %arg13[%get3A_624, %get3A_625] {strides = array<i32>} : memref<480x64xf32, #tpu.memory_space<vmem>>, vector<16xf32>,
        %mul3A_627 = arith.mulf %get3A_626, %get3A_193 : vector<16xf32>
        %add3A_628 = arith.addf %mul3A_615, %mul3A_619 : vector<16xf32>
        %add3A_629 = arith.addf %mul3A_623, %mul3A_627 : vector<16xf32>
        %add3A_630 = arith.addf %add3A_628, %add3A_629 : vector<16xf32>
        %reduce_sum3A_631 = arith.constant true
        %reduce_sum3A_632 = vector.broadcast %reduce_sum3A_631 : i1 to vector<16xi1>
        %reduce_sum3A_633 = tpu.scan <sum>, %add3A_630 masked %reduce_sum3A_632 : vector<16xf32>, vector<16xi1> -> vector<16xf32>
        %reduce_sum3A_634 = vector.extract %reduce_sum3A_633[15] : f32 from vector<16xf32>
        %eq3A_635 = arith.constant 13 : i32
        %eq3A_636 = vector.broadcast %eq3A_635 : i32 to vector<16xi32>
        %eq3A_637 = arith.cmpi eq, %iota3A, %eq3A_636 : vector<16xi32>
        %broadcast_in_dim3A_638 = vector.broadcast %reduce_sum3A_634 : f32 to vector<16xf32>
        %select_n3A_639 = arith.select %eq3A_637, %broadcast_in_dim3A_638, %select_n3A_607 : vector<16xi1>, vector<16xf32>
        %mul3A_640 = arith.constant 15 : i32
        %mul3A_641 = arith.muli %scan3A_182, %mul3A_640 : i32
        %add3A_642 = arith.constant 14 : i32
        %add3A_643 = arith.addi %mul3A_641, %add3A_642 : i32
        %get3A_644 = arith.index_cast %add3A_643 : i32 to index
        %get3A_645 = arith.constant 0 : index
        %get3A_646 = tpu.vector_load %arg13[%get3A_644, %get3A_645] {strides = array<i32>} : memref<480x64xf32, #tpu.memory_space<vmem>>, vector<16xf32>,
        %mul3A_647 = arith.mulf %get3A_646, %get3A_184 : vector<16xf32>
        %get3A_648 = arith.index_cast %add3A_643 : i32 to index
        %get3A_649 = arith.constant 16 : index
        %get3A_650 = tpu.vector_load %arg13[%get3A_648, %get3A_649] {strides = array<i32>} : memref<480x64xf32, #tpu.memory_space<vmem>>, vector<16xf32>,
        %mul3A_651 = arith.mulf %get3A_650, %get3A_187 : vector<16xf32>
        %get3A_652 = arith.index_cast %add3A_643 : i32 to index
        %get3A_653 = arith.constant 32 : index
        %get3A_654 = tpu.vector_load %arg13[%get3A_652, %get3A_653] {strides = array<i32>} : memref<480x64xf32, #tpu.memory_space<vmem>>, vector<16xf32>,
        %mul3A_655 = arith.mulf %get3A_654, %get3A_190 : vector<16xf32>
        %get3A_656 = arith.index_cast %add3A_643 : i32 to index
        %get3A_657 = arith.constant 48 : index
        %get3A_658 = tpu.vector_load %arg13[%get3A_656, %get3A_657] {strides = array<i32>} : memref<480x64xf32, #tpu.memory_space<vmem>>, vector<16xf32>,
        %mul3A_659 = arith.mulf %get3A_658, %get3A_193 : vector<16xf32>
        %add3A_660 = arith.addf %mul3A_647, %mul3A_651 : vector<16xf32>
        %add3A_661 = arith.addf %mul3A_655, %mul3A_659 : vector<16xf32>
        %add3A_662 = arith.addf %add3A_660, %add3A_661 : vector<16xf32>
        %reduce_sum3A_663 = arith.constant true
        %reduce_sum3A_664 = vector.broadcast %reduce_sum3A_663 : i1 to vector<16xi1>
        %reduce_sum3A_665 = tpu.scan <sum>, %add3A_662 masked %reduce_sum3A_664 : vector<16xf32>, vector<16xi1> -> vector<16xf32>
        %reduce_sum3A_666 = vector.extract %reduce_sum3A_665[15] : f32 from vector<16xf32>
        %eq3A_667 = arith.constant 14 : i32
        %eq3A_668 = vector.broadcast %eq3A_667 : i32 to vector<16xi32>
        %eq3A_669 = arith.cmpi eq, %iota3A, %eq3A_668 : vector<16xi32>
        %broadcast_in_dim3A_670 = vector.broadcast %reduce_sum3A_666 : f32 to vector<16xf32>
        %select_n3A_671 = arith.select %eq3A_669, %broadcast_in_dim3A_670, %select_n3A_639 : vector<16xi1>, vector<16xf32>
        %swap3A = arith.index_cast %scan3A_182 : i32 to index
        %swap3A_672 = arith.constant 0 : index
        %swap3A_673 = tpu.vector_load %arg15[%swap3A, %swap3A_672] {strides = array<i32>} : memref<32x16xf32, #tpu.memory_space<vmem>>, vector<16xf32>,
        tpu.vector_store %arg15[%swap3A, %swap3A_672], %select_n3A_671 {strides = array<i32>} : memref<32x16xf32, #tpu.memory_space<vmem>>, vector<16xf32>,
      }
      %scan3A_113 = arith.constant 32 : i32
      %mul3A_114 = arith.constant 32 : i32
      %mul3A_115 = arith.muli %add3A_61, %mul3A_114 : i32
      %add3A_116 = arith.addi %mul3A_2, %mul3A_115 : i32
      %multiple_of3A_117 = tpu.assume_multiple %add3A_116, 32 : i32
      "tpu.region"() ({
        %run_scoped3A = tpu.sem_alloc : memref<!tpu.dma_semaphore, #tpu.memory_space<semaphore_mem>>
        %dma_start3A_182 = arith.constant 0 : i32
        %dma_start3A_183 = tpu.memref_slice %arg6[%multiple_of3A_117, %dma_start3A_182] : memref<16384x16xf32, #tpu.memory_space<hbm>> -> memref<32x16xf32, #tpu.memory_space<hbm>>
        %dma_start3A_184 = arith.constant 0 : i32
        %dma_start3A_185 = tpu.memref_slice %arg6[%multiple_of3A_117, %dma_start3A_184] : memref<16384x16xf32, #tpu.memory_space<hbm>> -> memref<32x16xf32, #tpu.memory_space<hbm>>
        tpu.enqueue_dma source(%arg15 : memref<32x16xf32, #tpu.memory_space<vmem>>) target(%dma_start3A_185 : memref<32x16xf32, #tpu.memory_space<hbm>>) target_semaphore(%run_scoped3A : memref<!tpu.dma_semaphore, #tpu.memory_space<semaphore_mem>>)
        %dma_wait3A_186 = arith.constant 0 : i32
        %dma_wait3A_187 = tpu.memref_slice %arg6[%multiple_of3A_117, %dma_wait3A_186] : memref<16384x16xf32, #tpu.memory_space<hbm>> -> memref<32x16xf32, #tpu.memory_space<hbm>>
        %dma_wait3A_188 = arith.constant 0 : i32
        %dma_wait3A_189 = tpu.memref_slice %arg6[%multiple_of3A_117, %dma_wait3A_188] : memref<16384x16xf32, #tpu.memory_space<hbm>> -> memref<32x16xf32, #tpu.memory_space<hbm>>
        tpu.wait_dma2 semaphore(%run_scoped3A : memref<!tpu.dma_semaphore, #tpu.memory_space<semaphore_mem>>) src(%arg15 : memref<32x16xf32, #tpu.memory_space<vmem>>) dst(%dma_wait3A_189 : memref<32x16xf32, #tpu.memory_space<hbm>>)
        tpu.yield
      }) : () -> ()
      %mul3A_118 = arith.constant 2 : i32
      %mul3A_119 = arith.muli %scan3A_57, %mul3A_118 : i32
      %add3A_120 = arith.constant 1 : i32
      %add3A_121 = arith.addi %mul3A_119, %add3A_120 : i32
      %dma_wait3A_122 = arith.constant 0 : i32
      %dma_wait3A_123 = arith.constant 0 : i32
      %dma_wait3A_124 = tpu.memref_slice %arg4[%dma_wait3A_122, %dma_wait3A_123] : memref<1000000x64xf32, #tpu.memory_space<hbm>> -> memref<1000000x64xf32, #tpu.memory_space<hbm>>
      tpu.wait_indirect_dma semaphore(%arg18 : memref<!tpu.dma_semaphore, #tpu.memory_space<semaphore_mem>>) src(%dma_wait3A_124 : memref<1000000x64xf32, #tpu.memory_space<hbm>>) dst(%arg12 : memref<32x64xf32, #tpu.memory_space<vmem>>)
      %dma_wait3A_125 = arith.constant 0 : i32
      %dma_wait3A_126 = arith.constant 0 : i32
      %dma_wait3A_127 = arith.constant 0 : i32
      %dma_wait3A_128 = tpu.memref_slice %arg14[%dma_wait3A_126, %dma_wait3A_127] : memref<480x64xf32, #tpu.memory_space<vmem>> -> memref<120x64xf32, #tpu.memory_space<vmem>>
      %dma_wait3A_129 = arith.constant 0 : i32
      %dma_wait3A_130 = tpu.memref_slice %arg10[%dma_wait3A_125, %dma_wait3A_129] : memref<4x120xi32, #tpu.memory_space<vmem>> -> memref<1x120xi32, #tpu.memory_space<vmem>>
      %dma_wait3A_131 = tpu.memref_squeeze %dma_wait3A_130 : memref<1x120xi32, #tpu.memory_space<vmem>> -> memref<120xi32, #tpu.memory_space<vmem>>
      %dma_wait3A_132 = arith.constant 0 : i32
      %dma_wait3A_133 = arith.constant 0 : i32
      %dma_wait3A_134 = tpu.memref_slice %arg5[%dma_wait3A_132, %dma_wait3A_133] : memref<1000000x64xf32, #tpu.memory_space<hbm>> -> memref<1000000x64xf32, #tpu.memory_space<hbm>>
      tpu.wait_indirect_dma semaphore(%arg18 : memref<!tpu.dma_semaphore, #tpu.memory_space<semaphore_mem>>) src(%dma_wait3A_134 : memref<1000000x64xf32, #tpu.memory_space<hbm>>) dst(%dma_wait3A_128 : memref<120x64xf32, #tpu.memory_space<vmem>>)
      %dma_wait3A_135 = arith.constant 1 : i32
      %dma_wait3A_136 = arith.constant 120 : i32
      %dma_wait3A_137 = arith.constant 0 : i32
      %dma_wait3A_138 = tpu.memref_slice %arg14[%dma_wait3A_136, %dma_wait3A_137] : memref<480x64xf32, #tpu.memory_space<vmem>> -> memref<120x64xf32, #tpu.memory_space<vmem>>
      %dma_wait3A_139 = arith.constant 0 : i32
      %dma_wait3A_140 = tpu.memref_slice %arg10[%dma_wait3A_135, %dma_wait3A_139] : memref<4x120xi32, #tpu.memory_space<vmem>> -> memref<1x120xi32, #tpu.memory_space<vmem>>
      %dma_wait3A_141 = tpu.memref_squeeze %dma_wait3A_140 : memref<1x120xi32, #tpu.memory_space<vmem>> -> memref<120xi32, #tpu.memory_space<vmem>>
      %dma_wait3A_142 = arith.constant 0 : i32
      %dma_wait3A_143 = arith.constant 0 : i32
      %dma_wait3A_144 = tpu.memref_slice %arg5[%dma_wait3A_142, %dma_wait3A_143] : memref<1000000x64xf32, #tpu.memory_space<hbm>> -> memref<1000000x64xf32, #tpu.memory_space<hbm>>
      tpu.wait_indirect_dma semaphore(%arg18 : memref<!tpu.dma_semaphore, #tpu.memory_space<semaphore_mem>>) src(%dma_wait3A_144 : memref<1000000x64xf32, #tpu.memory_space<hbm>>) dst(%dma_wait3A_138 : memref<120x64xf32, #tpu.memory_space<vmem>>)
      %dma_wait3A_145 = arith.constant 2 : i32
      %dma_wait3A_146 = arith.constant 240 : i32
      %dma_wait3A_147 = arith.constant 0 : i32
      %dma_wait3A_148 = tpu.memref_slice %arg14[%dma_wait3A_146, %dma_wait3A_147] : memref<480x64xf32, #tpu.memory_space<vmem>> -> memref<120x64xf32, #tpu.memory_space<vmem>>
      %dma_wait3A_149 = arith.constant 0 : i32
      %dma_wait3A_150 = tpu.memref_slice %arg10[%dma_wait3A_145, %dma_wait3A_149] : memref<4x120xi32, #tpu.memory_space<vmem>> -> memref<1x120xi32, #tpu.memory_space<vmem>>
      %dma_wait3A_151 = tpu.memref_squeeze %dma_wait3A_150 : memref<1x120xi32, #tpu.memory_space<vmem>> -> memref<120xi32, #tpu.memory_space<vmem>>
      %dma_wait3A_152 = arith.constant 0 : i32
      %dma_wait3A_153 = arith.constant 0 : i32
      %dma_wait3A_154 = tpu.memref_slice %arg5[%dma_wait3A_152, %dma_wait3A_153] : memref<1000000x64xf32, #tpu.memory_space<hbm>> -> memref<1000000x64xf32, #tpu.memory_space<hbm>>
      tpu.wait_indirect_dma semaphore(%arg18 : memref<!tpu.dma_semaphore, #tpu.memory_space<semaphore_mem>>) src(%dma_wait3A_154 : memref<1000000x64xf32, #tpu.memory_space<hbm>>) dst(%dma_wait3A_148 : memref<120x64xf32, #tpu.memory_space<vmem>>)
      %dma_wait3A_155 = arith.constant 3 : i32
      %dma_wait3A_156 = arith.constant 360 : i32
      %dma_wait3A_157 = arith.constant 0 : i32
      %dma_wait3A_158 = tpu.memref_slice %arg14[%dma_wait3A_156, %dma_wait3A_157] : memref<480x64xf32, #tpu.memory_space<vmem>> -> memref<120x64xf32, #tpu.memory_space<vmem>>
      %dma_wait3A_159 = arith.constant 0 : i32
      %dma_wait3A_160 = tpu.memref_slice %arg10[%dma_wait3A_155, %dma_wait3A_159] : memref<4x120xi32, #tpu.memory_space<vmem>> -> memref<1x120xi32, #tpu.memory_space<vmem>>
      %dma_wait3A_161 = tpu.memref_squeeze %dma_wait3A_160 : memref<1x120xi32, #tpu.memory_space<vmem>> -> memref<120xi32, #tpu.memory_space<vmem>>
      %dma_wait3A_162 = arith.constant 0 : i32
      %dma_wait3A_163 = arith.constant 0 : i32
      %dma_wait3A_164 = tpu.memref_slice %arg5[%dma_wait3A_162, %dma_wait3A_163] : memref<1000000x64xf32, #tpu.memory_space<hbm>> -> memref<1000000x64xf32, #tpu.memory_space<hbm>>
      tpu.wait_indirect_dma semaphore(%arg18 : memref<!tpu.dma_semaphore, #tpu.memory_space<semaphore_mem>>) src(%dma_wait3A_164 : memref<1000000x64xf32, #tpu.memory_space<hbm>>) dst(%dma_wait3A_158 : memref<120x64xf32, #tpu.memory_space<vmem>>)
      %add3A_165 = arith.constant 1 : i32
      %add3A_166 = arith.addi %add3A_121, %add3A_165 : i32
      %lt3A_167 = arith.constant 16 : i32
      %lt3A_168 = arith.cmpi slt, %add3A_166, %lt3A_167 : i32
      %convert_element_type3A_169 = arith.extui %lt3A_168 : i1 to i32
      %cond3A_170 = arith.constant 0 : i32
      %cond3A_171 = arith.cmpi ne, %convert_element_type3A_169, %cond3A_170 : i32
      scf.if %cond3A_171 {
        %add3A_182 = arith.constant 1 : i32
        %add3A_183 = arith.addi %add3A_121, %add3A_182 : i32
        %mul3A_184 = arith.constant 32 : i32
        %mul3A_185 = arith.muli %add3A_183, %mul3A_184 : i32
        %add3A_186 = arith.addi %mul3A_2, %mul3A_185 : i32
        %multiple_of3A_187 = tpu.assume_multiple %add3A_186, 32 : i32
        "tpu.region"() ({
          %run_scoped3A = tpu.sem_alloc : memref<!tpu.dma_semaphore, #tpu.memory_space<semaphore_mem>>
          %dma_start3A_237 = tpu.memref_slice %arg2[%multiple_of3A_187] : memref<16384xi32, #tpu.memory_space<hbm>> -> memref<32xi32, #tpu.memory_space<hbm>>
          %dma_start3A_238 = tpu.memref_slice %arg2[%multiple_of3A_187] : memref<16384xi32, #tpu.memory_space<hbm>> -> memref<32xi32, #tpu.memory_space<hbm>>
          tpu.enqueue_dma source(%dma_start3A_238 : memref<32xi32, #tpu.memory_space<hbm>>) target(%arg7 : memref<32xi32, #tpu.memory_space<vmem>>) target_semaphore(%run_scoped3A : memref<!tpu.dma_semaphore, #tpu.memory_space<semaphore_mem>>)
          %dma_wait3A_239 = tpu.memref_slice %arg2[%multiple_of3A_187] : memref<16384xi32, #tpu.memory_space<hbm>> -> memref<32xi32, #tpu.memory_space<hbm>>
          %dma_wait3A_240 = tpu.memref_slice %arg2[%multiple_of3A_187] : memref<16384xi32, #tpu.memory_space<hbm>> -> memref<32xi32, #tpu.memory_space<hbm>>
          tpu.wait_dma2 semaphore(%run_scoped3A : memref<!tpu.dma_semaphore, #tpu.memory_space<semaphore_mem>>) src(%dma_wait3A_240 : memref<32xi32, #tpu.memory_space<hbm>>) dst(%arg7 : memref<32xi32, #tpu.memory_space<vmem>>)
          tpu.yield
        }) : () -> ()
        %mul3A_188 = arith.constant 64 : i32
        %mul3A_189 = arith.muli %add3A, %mul3A_188 : i32
        %mul3A_190 = arith.constant 4 : i32
        %mul3A_191 = arith.muli %add3A_183, %mul3A_190 : i32
        %add3A_192 = arith.addi %mul3A_189, %mul3A_191 : i32
        %multiple_of3A_193 = tpu.assume_multiple %add3A_192, 4 : i32
        "tpu.region"() ({
          %run_scoped3A = tpu.sem_alloc : memref<!tpu.dma_semaphore, #tpu.memory_space<semaphore_mem>>
          %dma_start3A_237 = arith.constant 0 : i32
          %dma_start3A_238 = tpu.memref_slice %arg3[%multiple_of3A_193, %dma_start3A_237] : memref<2048x120xi32, #tpu.memory_space<hbm>> -> memref<4x120xi32, #tpu.memory_space<hbm>>
          %dma_start3A_239 = arith.constant 0 : i32
          %dma_start3A_240 = tpu.memref_slice %arg3[%multiple_of3A_193, %dma_start3A_239] : memref<2048x120xi32, #tpu.memory_space<hbm>> -> memref<4x120xi32, #tpu.memory_space<hbm>>
          tpu.enqueue_dma source(%dma_start3A_240 : memref<4x120xi32, #tpu.memory_space<hbm>>) target(%arg9 : memref<4x120xi32, #tpu.memory_space<vmem>>) target_semaphore(%run_scoped3A : memref<!tpu.dma_semaphore, #tpu.memory_space<semaphore_mem>>)
          %dma_wait3A_241 = arith.constant 0 : i32
          %dma_wait3A_242 = tpu.memref_slice %arg3[%multiple_of3A_193, %dma_wait3A_241] : memref<2048x120xi32, #tpu.memory_space<hbm>> -> memref<4x120xi32, #tpu.memory_space<hbm>>
          %dma_wait3A_243 = arith.constant 0 : i32
          %dma_wait3A_244 = tpu.memref_slice %arg3[%multiple_of3A_193, %dma_wait3A_243] : memref<2048x120xi32, #tpu.memory_space<hbm>> -> memref<4x120xi32, #tpu.memory_space<hbm>>
          tpu.wait_dma2 semaphore(%run_scoped3A : memref<!tpu.dma_semaphore, #tpu.memory_space<semaphore_mem>>) src(%dma_wait3A_244 : memref<4x120xi32, #tpu.memory_space<hbm>>) dst(%arg9 : memref<4x120xi32, #tpu.memory_space<vmem>>)
          tpu.yield
        }) : () -> ()
        %dma_start3A_194 = arith.constant 0 : i32
        %dma_start3A_195 = arith.constant 0 : i32
        %dma_start3A_196 = tpu.memref_slice %arg4[%dma_start3A_194, %dma_start3A_195] : memref<1000000x64xf32, #tpu.memory_space<hbm>> -> memref<1000000x64xf32, #tpu.memory_space<hbm>>
        tpu.enqueue_indirect_dma source(%dma_start3A_196 : memref<1000000x64xf32, #tpu.memory_space<hbm>>) target(%arg11 : memref<32x64xf32, #tpu.memory_space<vmem>>) offsets(%arg7 : memref<32xi32, #tpu.memory_space<vmem>>) semaphore(%arg17 : memref<!tpu.dma_semaphore, #tpu.memory_space<semaphore_mem>>)
        %dma_start3A_197 = arith.constant 0 : i32
        %dma_start3A_198 = arith.constant 0 : i32
        %dma_start3A_199 = arith.constant 0 : i32
        %dma_start3A_200 = tpu.memref_slice %arg13[%dma_start3A_198, %dma_start3A_199] : memref<480x64xf32, #tpu.memory_space<vmem>> -> memref<120x64xf32, #tpu.memory_space<vmem>>
        %dma_start3A_201 = arith.constant 0 : i32
        %dma_start3A_202 = tpu.memref_slice %arg9[%dma_start3A_197, %dma_start3A_201] : memref<4x120xi32, #tpu.memory_space<vmem>> -> memref<1x120xi32, #tpu.memory_space<vmem>>
        %dma_start3A_203 = tpu.memref_squeeze %dma_start3A_202 : memref<1x120xi32, #tpu.memory_space<vmem>> -> memref<120xi32, #tpu.memory_space<vmem>>
        %dma_start3A_204 = arith.constant 0 : i32
        %dma_start3A_205 = arith.constant 0 : i32
        %dma_start3A_206 = tpu.memref_slice %arg5[%dma_start3A_204, %dma_start3A_205] : memref<1000000x64xf32, #tpu.memory_space<hbm>> -> memref<1000000x64xf32, #tpu.memory_space<hbm>>
        tpu.enqueue_indirect_dma source(%dma_start3A_206 : memref<1000000x64xf32, #tpu.memory_space<hbm>>) target(%dma_start3A_200 : memref<120x64xf32, #tpu.memory_space<vmem>>) offsets(%dma_start3A_203 : memref<120xi32, #tpu.memory_space<vmem>>) semaphore(%arg17 : memref<!tpu.dma_semaphore, #tpu.memory_space<semaphore_mem>>)
        %dma_start3A_207 = arith.constant 1 : i32
        %dma_start3A_208 = arith.constant 120 : i32
        %dma_start3A_209 = arith.constant 0 : i32
        %dma_start3A_210 = tpu.memref_slice %arg13[%dma_start3A_208, %dma_start3A_209] : memref<480x64xf32, #tpu.memory_space<vmem>> -> memref<120x64xf32, #tpu.memory_space<vmem>>
        %dma_start3A_211 = arith.constant 0 : i32
        %dma_start3A_212 = tpu.memref_slice %arg9[%dma_start3A_207, %dma_start3A_211] : memref<4x120xi32, #tpu.memory_space<vmem>> -> memref<1x120xi32, #tpu.memory_space<vmem>>
        %dma_start3A_213 = tpu.memref_squeeze %dma_start3A_212 : memref<1x120xi32, #tpu.memory_space<vmem>> -> memref<120xi32, #tpu.memory_space<vmem>>
        %dma_start3A_214 = arith.constant 0 : i32
        %dma_start3A_215 = arith.constant 0 : i32
        %dma_start3A_216 = tpu.memref_slice %arg5[%dma_start3A_214, %dma_start3A_215] : memref<1000000x64xf32, #tpu.memory_space<hbm>> -> memref<1000000x64xf32, #tpu.memory_space<hbm>>
        tpu.enqueue_indirect_dma source(%dma_start3A_216 : memref<1000000x64xf32, #tpu.memory_space<hbm>>) target(%dma_start3A_210 : memref<120x64xf32, #tpu.memory_space<vmem>>) offsets(%dma_start3A_213 : memref<120xi32, #tpu.memory_space<vmem>>) semaphore(%arg17 : memref<!tpu.dma_semaphore, #tpu.memory_space<semaphore_mem>>)
        %dma_start3A_217 = arith.constant 2 : i32
        %dma_start3A_218 = arith.constant 240 : i32
        %dma_start3A_219 = arith.constant 0 : i32
        %dma_start3A_220 = tpu.memref_slice %arg13[%dma_start3A_218, %dma_start3A_219] : memref<480x64xf32, #tpu.memory_space<vmem>> -> memref<120x64xf32, #tpu.memory_space<vmem>>
        %dma_start3A_221 = arith.constant 0 : i32
        %dma_start3A_222 = tpu.memref_slice %arg9[%dma_start3A_217, %dma_start3A_221] : memref<4x120xi32, #tpu.memory_space<vmem>> -> memref<1x120xi32, #tpu.memory_space<vmem>>
        %dma_start3A_223 = tpu.memref_squeeze %dma_start3A_222 : memref<1x120xi32, #tpu.memory_space<vmem>> -> memref<120xi32, #tpu.memory_space<vmem>>
        %dma_start3A_224 = arith.constant 0 : i32
        %dma_start3A_225 = arith.constant 0 : i32
        %dma_start3A_226 = tpu.memref_slice %arg5[%dma_start3A_224, %dma_start3A_225] : memref<1000000x64xf32, #tpu.memory_space<hbm>> -> memref<1000000x64xf32, #tpu.memory_space<hbm>>
        tpu.enqueue_indirect_dma source(%dma_start3A_226 : memref<1000000x64xf32, #tpu.memory_space<hbm>>) target(%dma_start3A_220 : memref<120x64xf32, #tpu.memory_space<vmem>>) offsets(%dma_start3A_223 : memref<120xi32, #tpu.memory_space<vmem>>) semaphore(%arg17 : memref<!tpu.dma_semaphore, #tpu.memory_space<semaphore_mem>>)
        %dma_start3A_227 = arith.constant 3 : i32
        %dma_start3A_228 = arith.constant 360 : i32
        %dma_start3A_229 = arith.constant 0 : i32
        %dma_start3A_230 = tpu.memref_slice %arg13[%dma_start3A_228, %dma_start3A_229] : memref<480x64xf32, #tpu.memory_space<vmem>> -> memref<120x64xf32, #tpu.memory_space<vmem>>
        %dma_start3A_231 = arith.constant 0 : i32
        %dma_start3A_232 = tpu.memref_slice %arg9[%dma_start3A_227, %dma_start3A_231] : memref<4x120xi32, #tpu.memory_space<vmem>> -> memref<1x120xi32, #tpu.memory_space<vmem>>
        %dma_start3A_233 = tpu.memref_squeeze %dma_start3A_232 : memref<1x120xi32, #tpu.memory_space<vmem>> -> memref<120xi32, #tpu.memory_space<vmem>>
        %dma_start3A_234 = arith.constant 0 : i32
        %dma_start3A_235 = arith.constant 0 : i32
        %dma_start3A_236 = tpu.memref_slice %arg5[%dma_start3A_234, %dma_start3A_235] : memref<1000000x64xf32, #tpu.memory_space<hbm>> -> memref<1000000x64xf32, #tpu.memory_space<hbm>>
        tpu.enqueue_indirect_dma source(%dma_start3A_236 : memref<1000000x64xf32, #tpu.memory_space<hbm>>) target(%dma_start3A_230 : memref<120x64xf32, #tpu.memory_space<vmem>>) offsets(%dma_start3A_233 : memref<120xi32, #tpu.memory_space<vmem>>) semaphore(%arg17 : memref<!tpu.dma_semaphore, #tpu.memory_space<semaphore_mem>>)
      } else {
      }
      %scan3A_172 = arith.constant 0 : i32
      %scan3A_173 = arith.constant 0 : i32
      %scan3A_174 = arith.constant 32 : i32
      %scan3A_175 = arith.addi %scan3A_173, %scan3A_174 : i32
      %scan3A_176 = arith.constant 1 : i32
      scf.for %scan3A_182 = %scan3A_173 to %scan3A_175 step %scan3A_176  : i32 {
        %get3A = arith.index_cast %scan3A_182 : i32 to index
        %get3A_183 = arith.constant 0 : index
        %get3A_184 = tpu.vector_load %arg12[%get3A, %get3A_183] {strides = array<i32>} : memref<32x64xf32, #tpu.memory_space<vmem>>, vector<16xf32>,
        %get3A_185 = arith.index_cast %scan3A_182 : i32 to index
        %get3A_186 = arith.constant 16 : index
        %get3A_187 = tpu.vector_load %arg12[%get3A_185, %get3A_186] {strides = array<i32>} : memref<32x64xf32, #tpu.memory_space<vmem>>, vector<16xf32>,
        %get3A_188 = arith.index_cast %scan3A_182 : i32 to index
        %get3A_189 = arith.constant 32 : index
        %get3A_190 = tpu.vector_load %arg12[%get3A_188, %get3A_189] {strides = array<i32>} : memref<32x64xf32, #tpu.memory_space<vmem>>, vector<16xf32>,
        %get3A_191 = arith.index_cast %scan3A_182 : i32 to index
        %get3A_192 = arith.constant 48 : index
        %get3A_193 = tpu.vector_load %arg12[%get3A_191, %get3A_192] {strides = array<i32>} : memref<32x64xf32, #tpu.memory_space<vmem>>, vector<16xf32>,
        %broadcast_in_dim3A = arith.constant 0.000000e+00 : f32
        %broadcast_in_dim3A_194 = vector.broadcast %broadcast_in_dim3A : f32 to vector<16xf32>
        %mul3A_195 = arith.constant 15 : i32
        %mul3A_196 = arith.muli %scan3A_182, %mul3A_195 : i32
        %add3A_197 = arith.constant 0 : i32
        %add3A_198 = arith.addi %mul3A_196, %add3A_197 : i32
        %get3A_199 = arith.index_cast %add3A_198 : i32 to index
        %get3A_200 = arith.constant 0 : index
        %get3A_201 = tpu.vector_load %arg14[%get3A_199, %get3A_200] {strides = array<i32>} : memref<480x64xf32, #tpu.memory_space<vmem>>, vector<16xf32>,
        %mul3A_202 = arith.mulf %get3A_201, %get3A_184 : vector<16xf32>
        %get3A_203 = arith.index_cast %add3A_198 : i32 to index
        %get3A_204 = arith.constant 16 : index
        %get3A_205 = tpu.vector_load %arg14[%get3A_203, %get3A_204] {strides = array<i32>} : memref<480x64xf32, #tpu.memory_space<vmem>>, vector<16xf32>,
        %mul3A_206 = arith.mulf %get3A_205, %get3A_187 : vector<16xf32>
        %get3A_207 = arith.index_cast %add3A_198 : i32 to index
        %get3A_208 = arith.constant 32 : index
        %get3A_209 = tpu.vector_load %arg14[%get3A_207, %get3A_208] {strides = array<i32>} : memref<480x64xf32, #tpu.memory_space<vmem>>, vector<16xf32>,
        %mul3A_210 = arith.mulf %get3A_209, %get3A_190 : vector<16xf32>
        %get3A_211 = arith.index_cast %add3A_198 : i32 to index
        %get3A_212 = arith.constant 48 : index
        %get3A_213 = tpu.vector_load %arg14[%get3A_211, %get3A_212] {strides = array<i32>} : memref<480x64xf32, #tpu.memory_space<vmem>>, vector<16xf32>,
        %mul3A_214 = arith.mulf %get3A_213, %get3A_193 : vector<16xf32>
        %add3A_215 = arith.addf %mul3A_202, %mul3A_206 : vector<16xf32>
        %add3A_216 = arith.addf %mul3A_210, %mul3A_214 : vector<16xf32>
        %add3A_217 = arith.addf %add3A_215, %add3A_216 : vector<16xf32>
        %reduce_sum3A = arith.constant true
        %reduce_sum3A_218 = vector.broadcast %reduce_sum3A : i1 to vector<16xi1>
        %reduce_sum3A_219 = tpu.scan <sum>, %add3A_217 masked %reduce_sum3A_218 : vector<16xf32>, vector<16xi1> -> vector<16xf32>
        %reduce_sum3A_220 = vector.extract %reduce_sum3A_219[15] : f32 from vector<16xf32>
        %eq3A = arith.constant 0 : i32
        %eq3A_221 = vector.broadcast %eq3A : i32 to vector<16xi32>
        %eq3A_222 = arith.cmpi eq, %iota3A, %eq3A_221 : vector<16xi32>
        %broadcast_in_dim3A_223 = vector.broadcast %reduce_sum3A_220 : f32 to vector<16xf32>
        %select_n3A = arith.select %eq3A_222, %broadcast_in_dim3A_223, %broadcast_in_dim3A_194 : vector<16xi1>, vector<16xf32>
        %mul3A_224 = arith.constant 15 : i32
        %mul3A_225 = arith.muli %scan3A_182, %mul3A_224 : i32
        %add3A_226 = arith.constant 1 : i32
        %add3A_227 = arith.addi %mul3A_225, %add3A_226 : i32
        %get3A_228 = arith.index_cast %add3A_227 : i32 to index
        %get3A_229 = arith.constant 0 : index
        %get3A_230 = tpu.vector_load %arg14[%get3A_228, %get3A_229] {strides = array<i32>} : memref<480x64xf32, #tpu.memory_space<vmem>>, vector<16xf32>,
        %mul3A_231 = arith.mulf %get3A_230, %get3A_184 : vector<16xf32>
        %get3A_232 = arith.index_cast %add3A_227 : i32 to index
        %get3A_233 = arith.constant 16 : index
        %get3A_234 = tpu.vector_load %arg14[%get3A_232, %get3A_233] {strides = array<i32>} : memref<480x64xf32, #tpu.memory_space<vmem>>, vector<16xf32>,
        %mul3A_235 = arith.mulf %get3A_234, %get3A_187 : vector<16xf32>
        %get3A_236 = arith.index_cast %add3A_227 : i32 to index
        %get3A_237 = arith.constant 32 : index
        %get3A_238 = tpu.vector_load %arg14[%get3A_236, %get3A_237] {strides = array<i32>} : memref<480x64xf32, #tpu.memory_space<vmem>>, vector<16xf32>,
        %mul3A_239 = arith.mulf %get3A_238, %get3A_190 : vector<16xf32>
        %get3A_240 = arith.index_cast %add3A_227 : i32 to index
        %get3A_241 = arith.constant 48 : index
        %get3A_242 = tpu.vector_load %arg14[%get3A_240, %get3A_241] {strides = array<i32>} : memref<480x64xf32, #tpu.memory_space<vmem>>, vector<16xf32>,
        %mul3A_243 = arith.mulf %get3A_242, %get3A_193 : vector<16xf32>
        %add3A_244 = arith.addf %mul3A_231, %mul3A_235 : vector<16xf32>
        %add3A_245 = arith.addf %mul3A_239, %mul3A_243 : vector<16xf32>
        %add3A_246 = arith.addf %add3A_244, %add3A_245 : vector<16xf32>
        %reduce_sum3A_247 = arith.constant true
        %reduce_sum3A_248 = vector.broadcast %reduce_sum3A_247 : i1 to vector<16xi1>
        %reduce_sum3A_249 = tpu.scan <sum>, %add3A_246 masked %reduce_sum3A_248 : vector<16xf32>, vector<16xi1> -> vector<16xf32>
        %reduce_sum3A_250 = vector.extract %reduce_sum3A_249[15] : f32 from vector<16xf32>
        %eq3A_251 = arith.constant 1 : i32
        %eq3A_252 = vector.broadcast %eq3A_251 : i32 to vector<16xi32>
        %eq3A_253 = arith.cmpi eq, %iota3A, %eq3A_252 : vector<16xi32>
        %broadcast_in_dim3A_254 = vector.broadcast %reduce_sum3A_250 : f32 to vector<16xf32>
        %select_n3A_255 = arith.select %eq3A_253, %broadcast_in_dim3A_254, %select_n3A : vector<16xi1>, vector<16xf32>
        %mul3A_256 = arith.constant 15 : i32
        %mul3A_257 = arith.muli %scan3A_182, %mul3A_256 : i32
        %add3A_258 = arith.constant 2 : i32
        %add3A_259 = arith.addi %mul3A_257, %add3A_258 : i32
        %get3A_260 = arith.index_cast %add3A_259 : i32 to index
        %get3A_261 = arith.constant 0 : index
        %get3A_262 = tpu.vector_load %arg14[%get3A_260, %get3A_261] {strides = array<i32>} : memref<480x64xf32, #tpu.memory_space<vmem>>, vector<16xf32>,
        %mul3A_263 = arith.mulf %get3A_262, %get3A_184 : vector<16xf32>
        %get3A_264 = arith.index_cast %add3A_259 : i32 to index
        %get3A_265 = arith.constant 16 : index
        %get3A_266 = tpu.vector_load %arg14[%get3A_264, %get3A_265] {strides = array<i32>} : memref<480x64xf32, #tpu.memory_space<vmem>>, vector<16xf32>,
        %mul3A_267 = arith.mulf %get3A_266, %get3A_187 : vector<16xf32>
        %get3A_268 = arith.index_cast %add3A_259 : i32 to index
        %get3A_269 = arith.constant 32 : index
        %get3A_270 = tpu.vector_load %arg14[%get3A_268, %get3A_269] {strides = array<i32>} : memref<480x64xf32, #tpu.memory_space<vmem>>, vector<16xf32>,
        %mul3A_271 = arith.mulf %get3A_270, %get3A_190 : vector<16xf32>
        %get3A_272 = arith.index_cast %add3A_259 : i32 to index
        %get3A_273 = arith.constant 48 : index
        %get3A_274 = tpu.vector_load %arg14[%get3A_272, %get3A_273] {strides = array<i32>} : memref<480x64xf32, #tpu.memory_space<vmem>>, vector<16xf32>,
        %mul3A_275 = arith.mulf %get3A_274, %get3A_193 : vector<16xf32>
        %add3A_276 = arith.addf %mul3A_263, %mul3A_267 : vector<16xf32>
        %add3A_277 = arith.addf %mul3A_271, %mul3A_275 : vector<16xf32>
        %add3A_278 = arith.addf %add3A_276, %add3A_277 : vector<16xf32>
        %reduce_sum3A_279 = arith.constant true
        %reduce_sum3A_280 = vector.broadcast %reduce_sum3A_279 : i1 to vector<16xi1>
        %reduce_sum3A_281 = tpu.scan <sum>, %add3A_278 masked %reduce_sum3A_280 : vector<16xf32>, vector<16xi1> -> vector<16xf32>
        %reduce_sum3A_282 = vector.extract %reduce_sum3A_281[15] : f32 from vector<16xf32>
        %eq3A_283 = arith.constant 2 : i32
        %eq3A_284 = vector.broadcast %eq3A_283 : i32 to vector<16xi32>
        %eq3A_285 = arith.cmpi eq, %iota3A, %eq3A_284 : vector<16xi32>
        %broadcast_in_dim3A_286 = vector.broadcast %reduce_sum3A_282 : f32 to vector<16xf32>
        %select_n3A_287 = arith.select %eq3A_285, %broadcast_in_dim3A_286, %select_n3A_255 : vector<16xi1>, vector<16xf32>
        %mul3A_288 = arith.constant 15 : i32
        %mul3A_289 = arith.muli %scan3A_182, %mul3A_288 : i32
        %add3A_290 = arith.constant 3 : i32
        %add3A_291 = arith.addi %mul3A_289, %add3A_290 : i32
        %get3A_292 = arith.index_cast %add3A_291 : i32 to index
        %get3A_293 = arith.constant 0 : index
        %get3A_294 = tpu.vector_load %arg14[%get3A_292, %get3A_293] {strides = array<i32>} : memref<480x64xf32, #tpu.memory_space<vmem>>, vector<16xf32>,
        %mul3A_295 = arith.mulf %get3A_294, %get3A_184 : vector<16xf32>
        %get3A_296 = arith.index_cast %add3A_291 : i32 to index
        %get3A_297 = arith.constant 16 : index
        %get3A_298 = tpu.vector_load %arg14[%get3A_296, %get3A_297] {strides = array<i32>} : memref<480x64xf32, #tpu.memory_space<vmem>>, vector<16xf32>,
        %mul3A_299 = arith.mulf %get3A_298, %get3A_187 : vector<16xf32>
        %get3A_300 = arith.index_cast %add3A_291 : i32 to index
        %get3A_301 = arith.constant 32 : index
        %get3A_302 = tpu.vector_load %arg14[%get3A_300, %get3A_301] {strides = array<i32>} : memref<480x64xf32, #tpu.memory_space<vmem>>, vector<16xf32>,
        %mul3A_303 = arith.mulf %get3A_302, %get3A_190 : vector<16xf32>
        %get3A_304 = arith.index_cast %add3A_291 : i32 to index
        %get3A_305 = arith.constant 48 : index
        %get3A_306 = tpu.vector_load %arg14[%get3A_304, %get3A_305] {strides = array<i32>} : memref<480x64xf32, #tpu.memory_space<vmem>>, vector<16xf32>,
        %mul3A_307 = arith.mulf %get3A_306, %get3A_193 : vector<16xf32>
        %add3A_308 = arith.addf %mul3A_295, %mul3A_299 : vector<16xf32>
        %add3A_309 = arith.addf %mul3A_303, %mul3A_307 : vector<16xf32>
        %add3A_310 = arith.addf %add3A_308, %add3A_309 : vector<16xf32>
        %reduce_sum3A_311 = arith.constant true
        %reduce_sum3A_312 = vector.broadcast %reduce_sum3A_311 : i1 to vector<16xi1>
        %reduce_sum3A_313 = tpu.scan <sum>, %add3A_310 masked %reduce_sum3A_312 : vector<16xf32>, vector<16xi1> -> vector<16xf32>
        %reduce_sum3A_314 = vector.extract %reduce_sum3A_313[15] : f32 from vector<16xf32>
        %eq3A_315 = arith.constant 3 : i32
        %eq3A_316 = vector.broadcast %eq3A_315 : i32 to vector<16xi32>
        %eq3A_317 = arith.cmpi eq, %iota3A, %eq3A_316 : vector<16xi32>
        %broadcast_in_dim3A_318 = vector.broadcast %reduce_sum3A_314 : f32 to vector<16xf32>
        %select_n3A_319 = arith.select %eq3A_317, %broadcast_in_dim3A_318, %select_n3A_287 : vector<16xi1>, vector<16xf32>
        %mul3A_320 = arith.constant 15 : i32
        %mul3A_321 = arith.muli %scan3A_182, %mul3A_320 : i32
        %add3A_322 = arith.constant 4 : i32
        %add3A_323 = arith.addi %mul3A_321, %add3A_322 : i32
        %get3A_324 = arith.index_cast %add3A_323 : i32 to index
        %get3A_325 = arith.constant 0 : index
        %get3A_326 = tpu.vector_load %arg14[%get3A_324, %get3A_325] {strides = array<i32>} : memref<480x64xf32, #tpu.memory_space<vmem>>, vector<16xf32>,
        %mul3A_327 = arith.mulf %get3A_326, %get3A_184 : vector<16xf32>
        %get3A_328 = arith.index_cast %add3A_323 : i32 to index
        %get3A_329 = arith.constant 16 : index
        %get3A_330 = tpu.vector_load %arg14[%get3A_328, %get3A_329] {strides = array<i32>} : memref<480x64xf32, #tpu.memory_space<vmem>>, vector<16xf32>,
        %mul3A_331 = arith.mulf %get3A_330, %get3A_187 : vector<16xf32>
        %get3A_332 = arith.index_cast %add3A_323 : i32 to index
        %get3A_333 = arith.constant 32 : index
        %get3A_334 = tpu.vector_load %arg14[%get3A_332, %get3A_333] {strides = array<i32>} : memref<480x64xf32, #tpu.memory_space<vmem>>, vector<16xf32>,
        %mul3A_335 = arith.mulf %get3A_334, %get3A_190 : vector<16xf32>
        %get3A_336 = arith.index_cast %add3A_323 : i32 to index
        %get3A_337 = arith.constant 48 : index
        %get3A_338 = tpu.vector_load %arg14[%get3A_336, %get3A_337] {strides = array<i32>} : memref<480x64xf32, #tpu.memory_space<vmem>>, vector<16xf32>,
        %mul3A_339 = arith.mulf %get3A_338, %get3A_193 : vector<16xf32>
        %add3A_340 = arith.addf %mul3A_327, %mul3A_331 : vector<16xf32>
        %add3A_341 = arith.addf %mul3A_335, %mul3A_339 : vector<16xf32>
        %add3A_342 = arith.addf %add3A_340, %add3A_341 : vector<16xf32>
        %reduce_sum3A_343 = arith.constant true
        %reduce_sum3A_344 = vector.broadcast %reduce_sum3A_343 : i1 to vector<16xi1>
        %reduce_sum3A_345 = tpu.scan <sum>, %add3A_342 masked %reduce_sum3A_344 : vector<16xf32>, vector<16xi1> -> vector<16xf32>
        %reduce_sum3A_346 = vector.extract %reduce_sum3A_345[15] : f32 from vector<16xf32>
        %eq3A_347 = arith.constant 4 : i32
        %eq3A_348 = vector.broadcast %eq3A_347 : i32 to vector<16xi32>
        %eq3A_349 = arith.cmpi eq, %iota3A, %eq3A_348 : vector<16xi32>
        %broadcast_in_dim3A_350 = vector.broadcast %reduce_sum3A_346 : f32 to vector<16xf32>
        %select_n3A_351 = arith.select %eq3A_349, %broadcast_in_dim3A_350, %select_n3A_319 : vector<16xi1>, vector<16xf32>
        %mul3A_352 = arith.constant 15 : i32
        %mul3A_353 = arith.muli %scan3A_182, %mul3A_352 : i32
        %add3A_354 = arith.constant 5 : i32
        %add3A_355 = arith.addi %mul3A_353, %add3A_354 : i32
        %get3A_356 = arith.index_cast %add3A_355 : i32 to index
        %get3A_357 = arith.constant 0 : index
        %get3A_358 = tpu.vector_load %arg14[%get3A_356, %get3A_357] {strides = array<i32>} : memref<480x64xf32, #tpu.memory_space<vmem>>, vector<16xf32>,
        %mul3A_359 = arith.mulf %get3A_358, %get3A_184 : vector<16xf32>
        %get3A_360 = arith.index_cast %add3A_355 : i32 to index
        %get3A_361 = arith.constant 16 : index
        %get3A_362 = tpu.vector_load %arg14[%get3A_360, %get3A_361] {strides = array<i32>} : memref<480x64xf32, #tpu.memory_space<vmem>>, vector<16xf32>,
        %mul3A_363 = arith.mulf %get3A_362, %get3A_187 : vector<16xf32>
        %get3A_364 = arith.index_cast %add3A_355 : i32 to index
        %get3A_365 = arith.constant 32 : index
        %get3A_366 = tpu.vector_load %arg14[%get3A_364, %get3A_365] {strides = array<i32>} : memref<480x64xf32, #tpu.memory_space<vmem>>, vector<16xf32>,
        %mul3A_367 = arith.mulf %get3A_366, %get3A_190 : vector<16xf32>
        %get3A_368 = arith.index_cast %add3A_355 : i32 to index
        %get3A_369 = arith.constant 48 : index
        %get3A_370 = tpu.vector_load %arg14[%get3A_368, %get3A_369] {strides = array<i32>} : memref<480x64xf32, #tpu.memory_space<vmem>>, vector<16xf32>,
        %mul3A_371 = arith.mulf %get3A_370, %get3A_193 : vector<16xf32>
        %add3A_372 = arith.addf %mul3A_359, %mul3A_363 : vector<16xf32>
        %add3A_373 = arith.addf %mul3A_367, %mul3A_371 : vector<16xf32>
        %add3A_374 = arith.addf %add3A_372, %add3A_373 : vector<16xf32>
        %reduce_sum3A_375 = arith.constant true
        %reduce_sum3A_376 = vector.broadcast %reduce_sum3A_375 : i1 to vector<16xi1>
        %reduce_sum3A_377 = tpu.scan <sum>, %add3A_374 masked %reduce_sum3A_376 : vector<16xf32>, vector<16xi1> -> vector<16xf32>
        %reduce_sum3A_378 = vector.extract %reduce_sum3A_377[15] : f32 from vector<16xf32>
        %eq3A_379 = arith.constant 5 : i32
        %eq3A_380 = vector.broadcast %eq3A_379 : i32 to vector<16xi32>
        %eq3A_381 = arith.cmpi eq, %iota3A, %eq3A_380 : vector<16xi32>
        %broadcast_in_dim3A_382 = vector.broadcast %reduce_sum3A_378 : f32 to vector<16xf32>
        %select_n3A_383 = arith.select %eq3A_381, %broadcast_in_dim3A_382, %select_n3A_351 : vector<16xi1>, vector<16xf32>
        %mul3A_384 = arith.constant 15 : i32
        %mul3A_385 = arith.muli %scan3A_182, %mul3A_384 : i32
        %add3A_386 = arith.constant 6 : i32
        %add3A_387 = arith.addi %mul3A_385, %add3A_386 : i32
        %get3A_388 = arith.index_cast %add3A_387 : i32 to index
        %get3A_389 = arith.constant 0 : index
        %get3A_390 = tpu.vector_load %arg14[%get3A_388, %get3A_389] {strides = array<i32>} : memref<480x64xf32, #tpu.memory_space<vmem>>, vector<16xf32>,
        %mul3A_391 = arith.mulf %get3A_390, %get3A_184 : vector<16xf32>
        %get3A_392 = arith.index_cast %add3A_387 : i32 to index
        %get3A_393 = arith.constant 16 : index
        %get3A_394 = tpu.vector_load %arg14[%get3A_392, %get3A_393] {strides = array<i32>} : memref<480x64xf32, #tpu.memory_space<vmem>>, vector<16xf32>,
        %mul3A_395 = arith.mulf %get3A_394, %get3A_187 : vector<16xf32>
        %get3A_396 = arith.index_cast %add3A_387 : i32 to index
        %get3A_397 = arith.constant 32 : index
        %get3A_398 = tpu.vector_load %arg14[%get3A_396, %get3A_397] {strides = array<i32>} : memref<480x64xf32, #tpu.memory_space<vmem>>, vector<16xf32>,
        %mul3A_399 = arith.mulf %get3A_398, %get3A_190 : vector<16xf32>
        %get3A_400 = arith.index_cast %add3A_387 : i32 to index
        %get3A_401 = arith.constant 48 : index
        %get3A_402 = tpu.vector_load %arg14[%get3A_400, %get3A_401] {strides = array<i32>} : memref<480x64xf32, #tpu.memory_space<vmem>>, vector<16xf32>,
        %mul3A_403 = arith.mulf %get3A_402, %get3A_193 : vector<16xf32>
        %add3A_404 = arith.addf %mul3A_391, %mul3A_395 : vector<16xf32>
        %add3A_405 = arith.addf %mul3A_399, %mul3A_403 : vector<16xf32>
        %add3A_406 = arith.addf %add3A_404, %add3A_405 : vector<16xf32>
        %reduce_sum3A_407 = arith.constant true
        %reduce_sum3A_408 = vector.broadcast %reduce_sum3A_407 : i1 to vector<16xi1>
        %reduce_sum3A_409 = tpu.scan <sum>, %add3A_406 masked %reduce_sum3A_408 : vector<16xf32>, vector<16xi1> -> vector<16xf32>
        %reduce_sum3A_410 = vector.extract %reduce_sum3A_409[15] : f32 from vector<16xf32>
        %eq3A_411 = arith.constant 6 : i32
        %eq3A_412 = vector.broadcast %eq3A_411 : i32 to vector<16xi32>
        %eq3A_413 = arith.cmpi eq, %iota3A, %eq3A_412 : vector<16xi32>
        %broadcast_in_dim3A_414 = vector.broadcast %reduce_sum3A_410 : f32 to vector<16xf32>
        %select_n3A_415 = arith.select %eq3A_413, %broadcast_in_dim3A_414, %select_n3A_383 : vector<16xi1>, vector<16xf32>
        %mul3A_416 = arith.constant 15 : i32
        %mul3A_417 = arith.muli %scan3A_182, %mul3A_416 : i32
        %add3A_418 = arith.constant 7 : i32
        %add3A_419 = arith.addi %mul3A_417, %add3A_418 : i32
        %get3A_420 = arith.index_cast %add3A_419 : i32 to index
        %get3A_421 = arith.constant 0 : index
        %get3A_422 = tpu.vector_load %arg14[%get3A_420, %get3A_421] {strides = array<i32>} : memref<480x64xf32, #tpu.memory_space<vmem>>, vector<16xf32>,
        %mul3A_423 = arith.mulf %get3A_422, %get3A_184 : vector<16xf32>
        %get3A_424 = arith.index_cast %add3A_419 : i32 to index
        %get3A_425 = arith.constant 16 : index
        %get3A_426 = tpu.vector_load %arg14[%get3A_424, %get3A_425] {strides = array<i32>} : memref<480x64xf32, #tpu.memory_space<vmem>>, vector<16xf32>,
        %mul3A_427 = arith.mulf %get3A_426, %get3A_187 : vector<16xf32>
        %get3A_428 = arith.index_cast %add3A_419 : i32 to index
        %get3A_429 = arith.constant 32 : index
        %get3A_430 = tpu.vector_load %arg14[%get3A_428, %get3A_429] {strides = array<i32>} : memref<480x64xf32, #tpu.memory_space<vmem>>, vector<16xf32>,
        %mul3A_431 = arith.mulf %get3A_430, %get3A_190 : vector<16xf32>
        %get3A_432 = arith.index_cast %add3A_419 : i32 to index
        %get3A_433 = arith.constant 48 : index
        %get3A_434 = tpu.vector_load %arg14[%get3A_432, %get3A_433] {strides = array<i32>} : memref<480x64xf32, #tpu.memory_space<vmem>>, vector<16xf32>,
        %mul3A_435 = arith.mulf %get3A_434, %get3A_193 : vector<16xf32>
        %add3A_436 = arith.addf %mul3A_423, %mul3A_427 : vector<16xf32>
        %add3A_437 = arith.addf %mul3A_431, %mul3A_435 : vector<16xf32>
        %add3A_438 = arith.addf %add3A_436, %add3A_437 : vector<16xf32>
        %reduce_sum3A_439 = arith.constant true
        %reduce_sum3A_440 = vector.broadcast %reduce_sum3A_439 : i1 to vector<16xi1>
        %reduce_sum3A_441 = tpu.scan <sum>, %add3A_438 masked %reduce_sum3A_440 : vector<16xf32>, vector<16xi1> -> vector<16xf32>
        %reduce_sum3A_442 = vector.extract %reduce_sum3A_441[15] : f32 from vector<16xf32>
        %eq3A_443 = arith.constant 7 : i32
        %eq3A_444 = vector.broadcast %eq3A_443 : i32 to vector<16xi32>
        %eq3A_445 = arith.cmpi eq, %iota3A, %eq3A_444 : vector<16xi32>
        %broadcast_in_dim3A_446 = vector.broadcast %reduce_sum3A_442 : f32 to vector<16xf32>
        %select_n3A_447 = arith.select %eq3A_445, %broadcast_in_dim3A_446, %select_n3A_415 : vector<16xi1>, vector<16xf32>
        %mul3A_448 = arith.constant 15 : i32
        %mul3A_449 = arith.muli %scan3A_182, %mul3A_448 : i32
        %add3A_450 = arith.constant 8 : i32
        %add3A_451 = arith.addi %mul3A_449, %add3A_450 : i32
        %get3A_452 = arith.index_cast %add3A_451 : i32 to index
        %get3A_453 = arith.constant 0 : index
        %get3A_454 = tpu.vector_load %arg14[%get3A_452, %get3A_453] {strides = array<i32>} : memref<480x64xf32, #tpu.memory_space<vmem>>, vector<16xf32>,
        %mul3A_455 = arith.mulf %get3A_454, %get3A_184 : vector<16xf32>
        %get3A_456 = arith.index_cast %add3A_451 : i32 to index
        %get3A_457 = arith.constant 16 : index
        %get3A_458 = tpu.vector_load %arg14[%get3A_456, %get3A_457] {strides = array<i32>} : memref<480x64xf32, #tpu.memory_space<vmem>>, vector<16xf32>,
        %mul3A_459 = arith.mulf %get3A_458, %get3A_187 : vector<16xf32>
        %get3A_460 = arith.index_cast %add3A_451 : i32 to index
        %get3A_461 = arith.constant 32 : index
        %get3A_462 = tpu.vector_load %arg14[%get3A_460, %get3A_461] {strides = array<i32>} : memref<480x64xf32, #tpu.memory_space<vmem>>, vector<16xf32>,
        %mul3A_463 = arith.mulf %get3A_462, %get3A_190 : vector<16xf32>
        %get3A_464 = arith.index_cast %add3A_451 : i32 to index
        %get3A_465 = arith.constant 48 : index
        %get3A_466 = tpu.vector_load %arg14[%get3A_464, %get3A_465] {strides = array<i32>} : memref<480x64xf32, #tpu.memory_space<vmem>>, vector<16xf32>,
        %mul3A_467 = arith.mulf %get3A_466, %get3A_193 : vector<16xf32>
        %add3A_468 = arith.addf %mul3A_455, %mul3A_459 : vector<16xf32>
        %add3A_469 = arith.addf %mul3A_463, %mul3A_467 : vector<16xf32>
        %add3A_470 = arith.addf %add3A_468, %add3A_469 : vector<16xf32>
        %reduce_sum3A_471 = arith.constant true
        %reduce_sum3A_472 = vector.broadcast %reduce_sum3A_471 : i1 to vector<16xi1>
        %reduce_sum3A_473 = tpu.scan <sum>, %add3A_470 masked %reduce_sum3A_472 : vector<16xf32>, vector<16xi1> -> vector<16xf32>
        %reduce_sum3A_474 = vector.extract %reduce_sum3A_473[15] : f32 from vector<16xf32>
        %eq3A_475 = arith.constant 8 : i32
        %eq3A_476 = vector.broadcast %eq3A_475 : i32 to vector<16xi32>
        %eq3A_477 = arith.cmpi eq, %iota3A, %eq3A_476 : vector<16xi32>
        %broadcast_in_dim3A_478 = vector.broadcast %reduce_sum3A_474 : f32 to vector<16xf32>
        %select_n3A_479 = arith.select %eq3A_477, %broadcast_in_dim3A_478, %select_n3A_447 : vector<16xi1>, vector<16xf32>
        %mul3A_480 = arith.constant 15 : i32
        %mul3A_481 = arith.muli %scan3A_182, %mul3A_480 : i32
        %add3A_482 = arith.constant 9 : i32
        %add3A_483 = arith.addi %mul3A_481, %add3A_482 : i32
        %get3A_484 = arith.index_cast %add3A_483 : i32 to index
        %get3A_485 = arith.constant 0 : index
        %get3A_486 = tpu.vector_load %arg14[%get3A_484, %get3A_485] {strides = array<i32>} : memref<480x64xf32, #tpu.memory_space<vmem>>, vector<16xf32>,
        %mul3A_487 = arith.mulf %get3A_486, %get3A_184 : vector<16xf32>
        %get3A_488 = arith.index_cast %add3A_483 : i32 to index
        %get3A_489 = arith.constant 16 : index
        %get3A_490 = tpu.vector_load %arg14[%get3A_488, %get3A_489] {strides = array<i32>} : memref<480x64xf32, #tpu.memory_space<vmem>>, vector<16xf32>,
        %mul3A_491 = arith.mulf %get3A_490, %get3A_187 : vector<16xf32>
        %get3A_492 = arith.index_cast %add3A_483 : i32 to index
        %get3A_493 = arith.constant 32 : index
        %get3A_494 = tpu.vector_load %arg14[%get3A_492, %get3A_493] {strides = array<i32>} : memref<480x64xf32, #tpu.memory_space<vmem>>, vector<16xf32>,
        %mul3A_495 = arith.mulf %get3A_494, %get3A_190 : vector<16xf32>
        %get3A_496 = arith.index_cast %add3A_483 : i32 to index
        %get3A_497 = arith.constant 48 : index
        %get3A_498 = tpu.vector_load %arg14[%get3A_496, %get3A_497] {strides = array<i32>} : memref<480x64xf32, #tpu.memory_space<vmem>>, vector<16xf32>,
        %mul3A_499 = arith.mulf %get3A_498, %get3A_193 : vector<16xf32>
        %add3A_500 = arith.addf %mul3A_487, %mul3A_491 : vector<16xf32>
        %add3A_501 = arith.addf %mul3A_495, %mul3A_499 : vector<16xf32>
        %add3A_502 = arith.addf %add3A_500, %add3A_501 : vector<16xf32>
        %reduce_sum3A_503 = arith.constant true
        %reduce_sum3A_504 = vector.broadcast %reduce_sum3A_503 : i1 to vector<16xi1>
        %reduce_sum3A_505 = tpu.scan <sum>, %add3A_502 masked %reduce_sum3A_504 : vector<16xf32>, vector<16xi1> -> vector<16xf32>
        %reduce_sum3A_506 = vector.extract %reduce_sum3A_505[15] : f32 from vector<16xf32>
        %eq3A_507 = arith.constant 9 : i32
        %eq3A_508 = vector.broadcast %eq3A_507 : i32 to vector<16xi32>
        %eq3A_509 = arith.cmpi eq, %iota3A, %eq3A_508 : vector<16xi32>
        %broadcast_in_dim3A_510 = vector.broadcast %reduce_sum3A_506 : f32 to vector<16xf32>
        %select_n3A_511 = arith.select %eq3A_509, %broadcast_in_dim3A_510, %select_n3A_479 : vector<16xi1>, vector<16xf32>
        %mul3A_512 = arith.constant 15 : i32
        %mul3A_513 = arith.muli %scan3A_182, %mul3A_512 : i32
        %add3A_514 = arith.constant 10 : i32
        %add3A_515 = arith.addi %mul3A_513, %add3A_514 : i32
        %get3A_516 = arith.index_cast %add3A_515 : i32 to index
        %get3A_517 = arith.constant 0 : index
        %get3A_518 = tpu.vector_load %arg14[%get3A_516, %get3A_517] {strides = array<i32>} : memref<480x64xf32, #tpu.memory_space<vmem>>, vector<16xf32>,
        %mul3A_519 = arith.mulf %get3A_518, %get3A_184 : vector<16xf32>
        %get3A_520 = arith.index_cast %add3A_515 : i32 to index
        %get3A_521 = arith.constant 16 : index
        %get3A_522 = tpu.vector_load %arg14[%get3A_520, %get3A_521] {strides = array<i32>} : memref<480x64xf32, #tpu.memory_space<vmem>>, vector<16xf32>,
        %mul3A_523 = arith.mulf %get3A_522, %get3A_187 : vector<16xf32>
        %get3A_524 = arith.index_cast %add3A_515 : i32 to index
        %get3A_525 = arith.constant 32 : index
        %get3A_526 = tpu.vector_load %arg14[%get3A_524, %get3A_525] {strides = array<i32>} : memref<480x64xf32, #tpu.memory_space<vmem>>, vector<16xf32>,
        %mul3A_527 = arith.mulf %get3A_526, %get3A_190 : vector<16xf32>
        %get3A_528 = arith.index_cast %add3A_515 : i32 to index
        %get3A_529 = arith.constant 48 : index
        %get3A_530 = tpu.vector_load %arg14[%get3A_528, %get3A_529] {strides = array<i32>} : memref<480x64xf32, #tpu.memory_space<vmem>>, vector<16xf32>,
        %mul3A_531 = arith.mulf %get3A_530, %get3A_193 : vector<16xf32>
        %add3A_532 = arith.addf %mul3A_519, %mul3A_523 : vector<16xf32>
        %add3A_533 = arith.addf %mul3A_527, %mul3A_531 : vector<16xf32>
        %add3A_534 = arith.addf %add3A_532, %add3A_533 : vector<16xf32>
        %reduce_sum3A_535 = arith.constant true
        %reduce_sum3A_536 = vector.broadcast %reduce_sum3A_535 : i1 to vector<16xi1>
        %reduce_sum3A_537 = tpu.scan <sum>, %add3A_534 masked %reduce_sum3A_536 : vector<16xf32>, vector<16xi1> -> vector<16xf32>
        %reduce_sum3A_538 = vector.extract %reduce_sum3A_537[15] : f32 from vector<16xf32>
        %eq3A_539 = arith.constant 10 : i32
        %eq3A_540 = vector.broadcast %eq3A_539 : i32 to vector<16xi32>
        %eq3A_541 = arith.cmpi eq, %iota3A, %eq3A_540 : vector<16xi32>
        %broadcast_in_dim3A_542 = vector.broadcast %reduce_sum3A_538 : f32 to vector<16xf32>
        %select_n3A_543 = arith.select %eq3A_541, %broadcast_in_dim3A_542, %select_n3A_511 : vector<16xi1>, vector<16xf32>
        %mul3A_544 = arith.constant 15 : i32
        %mul3A_545 = arith.muli %scan3A_182, %mul3A_544 : i32
        %add3A_546 = arith.constant 11 : i32
        %add3A_547 = arith.addi %mul3A_545, %add3A_546 : i32
        %get3A_548 = arith.index_cast %add3A_547 : i32 to index
        %get3A_549 = arith.constant 0 : index
        %get3A_550 = tpu.vector_load %arg14[%get3A_548, %get3A_549] {strides = array<i32>} : memref<480x64xf32, #tpu.memory_space<vmem>>, vector<16xf32>,
        %mul3A_551 = arith.mulf %get3A_550, %get3A_184 : vector<16xf32>
        %get3A_552 = arith.index_cast %add3A_547 : i32 to index
        %get3A_553 = arith.constant 16 : index
        %get3A_554 = tpu.vector_load %arg14[%get3A_552, %get3A_553] {strides = array<i32>} : memref<480x64xf32, #tpu.memory_space<vmem>>, vector<16xf32>,
        %mul3A_555 = arith.mulf %get3A_554, %get3A_187 : vector<16xf32>
        %get3A_556 = arith.index_cast %add3A_547 : i32 to index
        %get3A_557 = arith.constant 32 : index
        %get3A_558 = tpu.vector_load %arg14[%get3A_556, %get3A_557] {strides = array<i32>} : memref<480x64xf32, #tpu.memory_space<vmem>>, vector<16xf32>,
        %mul3A_559 = arith.mulf %get3A_558, %get3A_190 : vector<16xf32>
        %get3A_560 = arith.index_cast %add3A_547 : i32 to index
        %get3A_561 = arith.constant 48 : index
        %get3A_562 = tpu.vector_load %arg14[%get3A_560, %get3A_561] {strides = array<i32>} : memref<480x64xf32, #tpu.memory_space<vmem>>, vector<16xf32>,
        %mul3A_563 = arith.mulf %get3A_562, %get3A_193 : vector<16xf32>
        %add3A_564 = arith.addf %mul3A_551, %mul3A_555 : vector<16xf32>
        %add3A_565 = arith.addf %mul3A_559, %mul3A_563 : vector<16xf32>
        %add3A_566 = arith.addf %add3A_564, %add3A_565 : vector<16xf32>
        %reduce_sum3A_567 = arith.constant true
        %reduce_sum3A_568 = vector.broadcast %reduce_sum3A_567 : i1 to vector<16xi1>
        %reduce_sum3A_569 = tpu.scan <sum>, %add3A_566 masked %reduce_sum3A_568 : vector<16xf32>, vector<16xi1> -> vector<16xf32>
        %reduce_sum3A_570 = vector.extract %reduce_sum3A_569[15] : f32 from vector<16xf32>
        %eq3A_571 = arith.constant 11 : i32
        %eq3A_572 = vector.broadcast %eq3A_571 : i32 to vector<16xi32>
        %eq3A_573 = arith.cmpi eq, %iota3A, %eq3A_572 : vector<16xi32>
        %broadcast_in_dim3A_574 = vector.broadcast %reduce_sum3A_570 : f32 to vector<16xf32>
        %select_n3A_575 = arith.select %eq3A_573, %broadcast_in_dim3A_574, %select_n3A_543 : vector<16xi1>, vector<16xf32>
        %mul3A_576 = arith.constant 15 : i32
        %mul3A_577 = arith.muli %scan3A_182, %mul3A_576 : i32
        %add3A_578 = arith.constant 12 : i32
        %add3A_579 = arith.addi %mul3A_577, %add3A_578 : i32
        %get3A_580 = arith.index_cast %add3A_579 : i32 to index
        %get3A_581 = arith.constant 0 : index
        %get3A_582 = tpu.vector_load %arg14[%get3A_580, %get3A_581] {strides = array<i32>} : memref<480x64xf32, #tpu.memory_space<vmem>>, vector<16xf32>,
        %mul3A_583 = arith.mulf %get3A_582, %get3A_184 : vector<16xf32>
        %get3A_584 = arith.index_cast %add3A_579 : i32 to index
        %get3A_585 = arith.constant 16 : index
        %get3A_586 = tpu.vector_load %arg14[%get3A_584, %get3A_585] {strides = array<i32>} : memref<480x64xf32, #tpu.memory_space<vmem>>, vector<16xf32>,
        %mul3A_587 = arith.mulf %get3A_586, %get3A_187 : vector<16xf32>
        %get3A_588 = arith.index_cast %add3A_579 : i32 to index
        %get3A_589 = arith.constant 32 : index
        %get3A_590 = tpu.vector_load %arg14[%get3A_588, %get3A_589] {strides = array<i32>} : memref<480x64xf32, #tpu.memory_space<vmem>>, vector<16xf32>,
        %mul3A_591 = arith.mulf %get3A_590, %get3A_190 : vector<16xf32>
        %get3A_592 = arith.index_cast %add3A_579 : i32 to index
        %get3A_593 = arith.constant 48 : index
        %get3A_594 = tpu.vector_load %arg14[%get3A_592, %get3A_593] {strides = array<i32>} : memref<480x64xf32, #tpu.memory_space<vmem>>, vector<16xf32>,
        %mul3A_595 = arith.mulf %get3A_594, %get3A_193 : vector<16xf32>
        %add3A_596 = arith.addf %mul3A_583, %mul3A_587 : vector<16xf32>
        %add3A_597 = arith.addf %mul3A_591, %mul3A_595 : vector<16xf32>
        %add3A_598 = arith.addf %add3A_596, %add3A_597 : vector<16xf32>
        %reduce_sum3A_599 = arith.constant true
        %reduce_sum3A_600 = vector.broadcast %reduce_sum3A_599 : i1 to vector<16xi1>
        %reduce_sum3A_601 = tpu.scan <sum>, %add3A_598 masked %reduce_sum3A_600 : vector<16xf32>, vector<16xi1> -> vector<16xf32>
        %reduce_sum3A_602 = vector.extract %reduce_sum3A_601[15] : f32 from vector<16xf32>
        %eq3A_603 = arith.constant 12 : i32
        %eq3A_604 = vector.broadcast %eq3A_603 : i32 to vector<16xi32>
        %eq3A_605 = arith.cmpi eq, %iota3A, %eq3A_604 : vector<16xi32>
        %broadcast_in_dim3A_606 = vector.broadcast %reduce_sum3A_602 : f32 to vector<16xf32>
        %select_n3A_607 = arith.select %eq3A_605, %broadcast_in_dim3A_606, %select_n3A_575 : vector<16xi1>, vector<16xf32>
        %mul3A_608 = arith.constant 15 : i32
        %mul3A_609 = arith.muli %scan3A_182, %mul3A_608 : i32
        %add3A_610 = arith.constant 13 : i32
        %add3A_611 = arith.addi %mul3A_609, %add3A_610 : i32
        %get3A_612 = arith.index_cast %add3A_611 : i32 to index
        %get3A_613 = arith.constant 0 : index
        %get3A_614 = tpu.vector_load %arg14[%get3A_612, %get3A_613] {strides = array<i32>} : memref<480x64xf32, #tpu.memory_space<vmem>>, vector<16xf32>,
        %mul3A_615 = arith.mulf %get3A_614, %get3A_184 : vector<16xf32>
        %get3A_616 = arith.index_cast %add3A_611 : i32 to index
        %get3A_617 = arith.constant 16 : index
        %get3A_618 = tpu.vector_load %arg14[%get3A_616, %get3A_617] {strides = array<i32>} : memref<480x64xf32, #tpu.memory_space<vmem>>, vector<16xf32>,
        %mul3A_619 = arith.mulf %get3A_618, %get3A_187 : vector<16xf32>
        %get3A_620 = arith.index_cast %add3A_611 : i32 to index
        %get3A_621 = arith.constant 32 : index
        %get3A_622 = tpu.vector_load %arg14[%get3A_620, %get3A_621] {strides = array<i32>} : memref<480x64xf32, #tpu.memory_space<vmem>>, vector<16xf32>,
        %mul3A_623 = arith.mulf %get3A_622, %get3A_190 : vector<16xf32>
        %get3A_624 = arith.index_cast %add3A_611 : i32 to index
        %get3A_625 = arith.constant 48 : index
        %get3A_626 = tpu.vector_load %arg14[%get3A_624, %get3A_625] {strides = array<i32>} : memref<480x64xf32, #tpu.memory_space<vmem>>, vector<16xf32>,
        %mul3A_627 = arith.mulf %get3A_626, %get3A_193 : vector<16xf32>
        %add3A_628 = arith.addf %mul3A_615, %mul3A_619 : vector<16xf32>
        %add3A_629 = arith.addf %mul3A_623, %mul3A_627 : vector<16xf32>
        %add3A_630 = arith.addf %add3A_628, %add3A_629 : vector<16xf32>
        %reduce_sum3A_631 = arith.constant true
        %reduce_sum3A_632 = vector.broadcast %reduce_sum3A_631 : i1 to vector<16xi1>
        %reduce_sum3A_633 = tpu.scan <sum>, %add3A_630 masked %reduce_sum3A_632 : vector<16xf32>, vector<16xi1> -> vector<16xf32>
        %reduce_sum3A_634 = vector.extract %reduce_sum3A_633[15] : f32 from vector<16xf32>
        %eq3A_635 = arith.constant 13 : i32
        %eq3A_636 = vector.broadcast %eq3A_635 : i32 to vector<16xi32>
        %eq3A_637 = arith.cmpi eq, %iota3A, %eq3A_636 : vector<16xi32>
        %broadcast_in_dim3A_638 = vector.broadcast %reduce_sum3A_634 : f32 to vector<16xf32>
        %select_n3A_639 = arith.select %eq3A_637, %broadcast_in_dim3A_638, %select_n3A_607 : vector<16xi1>, vector<16xf32>
        %mul3A_640 = arith.constant 15 : i32
        %mul3A_641 = arith.muli %scan3A_182, %mul3A_640 : i32
        %add3A_642 = arith.constant 14 : i32
        %add3A_643 = arith.addi %mul3A_641, %add3A_642 : i32
        %get3A_644 = arith.index_cast %add3A_643 : i32 to index
        %get3A_645 = arith.constant 0 : index
        %get3A_646 = tpu.vector_load %arg14[%get3A_644, %get3A_645] {strides = array<i32>} : memref<480x64xf32, #tpu.memory_space<vmem>>, vector<16xf32>,
        %mul3A_647 = arith.mulf %get3A_646, %get3A_184 : vector<16xf32>
        %get3A_648 = arith.index_cast %add3A_643 : i32 to index
        %get3A_649 = arith.constant 16 : index
        %get3A_650 = tpu.vector_load %arg14[%get3A_648, %get3A_649] {strides = array<i32>} : memref<480x64xf32, #tpu.memory_space<vmem>>, vector<16xf32>,
        %mul3A_651 = arith.mulf %get3A_650, %get3A_187 : vector<16xf32>
        %get3A_652 = arith.index_cast %add3A_643 : i32 to index
        %get3A_653 = arith.constant 32 : index
        %get3A_654 = tpu.vector_load %arg14[%get3A_652, %get3A_653] {strides = array<i32>} : memref<480x64xf32, #tpu.memory_space<vmem>>, vector<16xf32>,
        %mul3A_655 = arith.mulf %get3A_654, %get3A_190 : vector<16xf32>
        %get3A_656 = arith.index_cast %add3A_643 : i32 to index
        %get3A_657 = arith.constant 48 : index
        %get3A_658 = tpu.vector_load %arg14[%get3A_656, %get3A_657] {strides = array<i32>} : memref<480x64xf32, #tpu.memory_space<vmem>>, vector<16xf32>,
        %mul3A_659 = arith.mulf %get3A_658, %get3A_193 : vector<16xf32>
        %add3A_660 = arith.addf %mul3A_647, %mul3A_651 : vector<16xf32>
        %add3A_661 = arith.addf %mul3A_655, %mul3A_659 : vector<16xf32>
        %add3A_662 = arith.addf %add3A_660, %add3A_661 : vector<16xf32>
        %reduce_sum3A_663 = arith.constant true
        %reduce_sum3A_664 = vector.broadcast %reduce_sum3A_663 : i1 to vector<16xi1>
        %reduce_sum3A_665 = tpu.scan <sum>, %add3A_662 masked %reduce_sum3A_664 : vector<16xf32>, vector<16xi1> -> vector<16xf32>
        %reduce_sum3A_666 = vector.extract %reduce_sum3A_665[15] : f32 from vector<16xf32>
        %eq3A_667 = arith.constant 14 : i32
        %eq3A_668 = vector.broadcast %eq3A_667 : i32 to vector<16xi32>
        %eq3A_669 = arith.cmpi eq, %iota3A, %eq3A_668 : vector<16xi32>
        %broadcast_in_dim3A_670 = vector.broadcast %reduce_sum3A_666 : f32 to vector<16xf32>
        %select_n3A_671 = arith.select %eq3A_669, %broadcast_in_dim3A_670, %select_n3A_639 : vector<16xi1>, vector<16xf32>
        %swap3A = arith.index_cast %scan3A_182 : i32 to index
        %swap3A_672 = arith.constant 0 : index
        %swap3A_673 = tpu.vector_load %arg16[%swap3A, %swap3A_672] {strides = array<i32>} : memref<32x16xf32, #tpu.memory_space<vmem>>, vector<16xf32>,
        tpu.vector_store %arg16[%swap3A, %swap3A_672], %select_n3A_671 {strides = array<i32>} : memref<32x16xf32, #tpu.memory_space<vmem>>, vector<16xf32>,
      }
      %scan3A_177 = arith.constant 32 : i32
      %mul3A_178 = arith.constant 32 : i32
      %mul3A_179 = arith.muli %add3A_121, %mul3A_178 : i32
      %add3A_180 = arith.addi %mul3A_2, %mul3A_179 : i32
      %multiple_of3A_181 = tpu.assume_multiple %add3A_180, 32 : i32
      "tpu.region"() ({
        %run_scoped3A = tpu.sem_alloc : memref<!tpu.dma_semaphore, #tpu.memory_space<semaphore_mem>>
        %dma_start3A_182 = arith.constant 0 : i32
        %dma_start3A_183 = tpu.memref_slice %arg6[%multiple_of3A_181, %dma_start3A_182] : memref<16384x16xf32, #tpu.memory_space<hbm>> -> memref<32x16xf32, #tpu.memory_space<hbm>>
        %dma_start3A_184 = arith.constant 0 : i32
        %dma_start3A_185 = tpu.memref_slice %arg6[%multiple_of3A_181, %dma_start3A_184] : memref<16384x16xf32, #tpu.memory_space<hbm>> -> memref<32x16xf32, #tpu.memory_space<hbm>>
        tpu.enqueue_dma source(%arg16 : memref<32x16xf32, #tpu.memory_space<vmem>>) target(%dma_start3A_185 : memref<32x16xf32, #tpu.memory_space<hbm>>) target_semaphore(%run_scoped3A : memref<!tpu.dma_semaphore, #tpu.memory_space<semaphore_mem>>)
        %dma_wait3A_186 = arith.constant 0 : i32
        %dma_wait3A_187 = tpu.memref_slice %arg6[%multiple_of3A_181, %dma_wait3A_186] : memref<16384x16xf32, #tpu.memory_space<hbm>> -> memref<32x16xf32, #tpu.memory_space<hbm>>
        %dma_wait3A_188 = arith.constant 0 : i32
        %dma_wait3A_189 = tpu.memref_slice %arg6[%multiple_of3A_181, %dma_wait3A_188] : memref<16384x16xf32, #tpu.memory_space<hbm>> -> memref<32x16xf32, #tpu.memory_space<hbm>>
        tpu.wait_dma2 semaphore(%run_scoped3A : memref<!tpu.dma_semaphore, #tpu.memory_space<semaphore_mem>>) src(%arg16 : memref<32x16xf32, #tpu.memory_space<vmem>>) dst(%dma_wait3A_189 : memref<32x16xf32, #tpu.memory_space<hbm>>)
        tpu.yield
      }) : () -> ()
    }
    %scan3A_56 = arith.constant 8 : i32
    return
  }
}

</mosaic_0001>

<sc_bundles>
// kernel: kernel.3.cloned.1.call-start
scs
__scs_entry_jumppad:
0x0: {  	(pc) =	sbr.rel $0x88, $3  }
0x1: {  	(tag) =	ssettag $0x0;
	lr =	simm.s32 $0x1  }
0x2: {  	[smem:$0x3F9D] =	sst lr;
	_ =	strace $0xD0000000  }
0x3: {  	_ = 	snop  }
0x4: {  	_ = 	snop  }
0x5: {  	_ = 	snop  }
0x6: {  	_ = 	snop  }
0x7: {  	_ = 	snop  }
__scs_overlays_trampoline_lowered:
0x8: {  	[smem:$0x3FAC] =	sst s0  }
0x9: {  	[smem:$0x3FAD] =	sst s1  }
0xa: {  	[smem:$0x3FAE] =	sst s2  }
0xb: {  	[smem:$0x3FAF] =	sst s3  }
0xc: {  	[smem:$0x3FB0] =	sst s4  }
0xd: {  	[smem:$0x3FB1] =	sst s5  }
0xe: {  	[smem:$0x3FB2] =	sst s6  }
0xf: {  	[smem:$0x3FB3] =	sst s7  }
0x10: {  	[smem:$0x3FB4] =	sst s8  }
0x11: {  	[smem:$0x3FB5] =	sst s9;
	s0 =	simm.s32 @!p0 $0x0  }
0x12: {  	s1 =	sld [smem:$0x3F9B];
	s0 =	simm.s32 @p0 $0x1  }
0x13: {  	[smem:$0x3FB6] =	sst s0;
	s0 =	simm.s32 @!p1 $0x0  }
0x14: {  	s2 =	sld [smem:$0x3F9A];
	s0 =	simm.s32 @p1 $0x1  }
0x15: {  	[smem:$0x3FB7] =	sst s0;
	s0 =	simm.s32 @!p2 $0x0  }
0x16: {  	s3 =	sld [smem:$0x3FDB];
	s0 =	simm.s32 @p2 $0x1  }
0x17: {  	s4 =	simm.s32 $0x1BF5;
	[smem:$0x3FB9] =	sst s0  }
0x18: {  	s0 =	sld [smem:$0x3F9C];
	_ =	swait.ge [sflag:s4], $0x0  }
0x19: {  	s7 =	sld [smem:$0x3F9D]  }
0x1a: {  	s8 =	sadd.s32 $0xFFFFE003, lr  }
0x1b: {  	s9 =	sadd.s32 $0xFFFFFEF7, lr;
	s5 =	simm.s32 $0xFFFFFFFF;
	p2 =	slt.u32 s8, $0xFFFFF086  }
0x1c: {  	p1 =	slt.u32 s9, $0xF7A;
	s5 =	simm.s32 @!p2 $0x0  }
0x1d: {  	s5 =	simm.s32 @p1 $0x1;
	p0 =	seq.s32 s7, s2  }
0x1e: {  	s7 =	smul.u32 @!p0 $0xF7A, s2;
	p2 =	seq.s32 @!p0 s5, $0x0  }
0x1f: {  	s9 =	smul.u32 $0xF7A, s1;
	s8 =	simm.s32 @!p0 $0x1BF5;
	p2 =	por !p2, p0  }
0x20: {  	[sflag:s8] =	ssyncset.s32 @!p0 $0xFFFFF086;
	s6 =	sadd.s32 @!p0 s3, s7;
	s7 =	simm.s32 @!p0 $0x108  }
0x21: {  	s3 =	sadd.s32 s3, s9;
	s6 =	sadd.s32 @!p0 $0x88, s6;
	s7 =	simm.s32 @p2 $0x1082  }
0x22: {  	[simem:s7], [sflag:s8] =	dma.local @!p0 [hbm:s6], $0xF7A  }
0x23: {  	s9 =	sor.u32 $0xD0000000, s2;
	s6 =	simm.s32 $0x108;
	_ =	swait.ge @!p0 [sflag:s8], $0x0  }
0x24: {  	s3 =	sadd.s32 $0x88, s3;
	s6 =	simm.s32 @!p1 $0x1082;
	[sflag:s4] =	ssyncset.s32 $0xFFFFF086  }
0x25: {  	[simem:s6], [sflag:s4] =	dma.local [hbm:s3], $0xF7A  }
0x26: {  	[smem:$0x3F9D] =	sst s1;
	(tag) =	ssettag s2;
	_ =	strace s9  }
0x27: {  	s1 =	sld [smem:$0x3FAD]  }
0x28: {  	s2 =	sld [smem:$0x3FAE]  }
0x29: {  	s4 =	sld [smem:$0x3FB0]  }
0x2a: {  	p0 =	seq.s32 s5, $0x0;
	s5 =	sld [smem:$0x3FB1]  }
0x2b: {  	s6 =	sld [smem:$0x3FB2]  }
0x2c: {  	s7 =	sld [smem:$0x3FB3]  }
0x2d: {  	s3 =	simm.s32 $0x108;
	s8 =	sld [smem:$0x3FB4]  }
0x2e: {  	s3 =	simm.s32 @!p0 $0x1082;
	s9 =	sld [smem:$0x3FB5]  }
0x2f: {  	lr =	sadd.s32 s0, s3;
	s0 =	sld [smem:$0x3FAC]  }
0x30: {  	s3 =	sld [smem:$0x3FAF]  }
0x31: {  	[smem:$0x3FB8] =	sst s10  }
0x32: {  	s10 =	sld [smem:$0x3FB6];
	_ =	sdelay $0x3  }
0x33: {  	p0 =	seq.s32 s10, $0x1;
	s10 =	sld [smem:$0x3FB8];
	_ =	sdelay $0x3  }
0x34: {  	[smem:$0x3FB8] =	sst s10  }
0x35: {  	s10 =	sld [smem:$0x3FB7];
	_ =	sdelay $0x3  }
0x36: {  	p1 =	seq.s32 s10, $0x1;
	s10 =	sld [smem:$0x3FB8];
	_ =	sdelay $0x3  }
0x37: {  	[smem:$0x3FB8] =	sst s10  }
0x38: {  	s10 =	sld [smem:$0x3FB9]  }
0x39: {  	_ = 	snop;
	(pc) =	sbr.ind lr, $3  }
0x3a: {  	_ = 	snop  }
0x3b: {  	_ = 	snop  }
0x3c: {  	p2 =	seq.s32 s10, $0x1;
	s10 =	sld [smem:$0x3FB8]  }
0x3d: {  	_ =	shalt  }
0x3e: {  	_ =	shalt  }
0x3f: {  	_ =	shalt  }
0x40: {  	_ =	shalt  }
0x41: {  	_ =	shalt  }
0x42: {  	_ =	shalt  }
0x43: {  	_ =	shalt  }
0x44: {  	_ =	shalt  }
0x45: {  	_ =	shalt  }
0x46: {  	_ =	shalt  }
0x47: {  	_ =	shalt  }
0x48: {  	_ =	shalt  }
0x49: {  	_ =	shalt  }
0x4a: {  	_ =	shalt  }
0x4b: {  	_ =	shalt  }
0x4c: {  	_ =	shalt  }
0x4d: {  	_ =	shalt  }
0x4e: {  	_ =	shalt  }
0x4f: {  	_ =	shalt  }
0x50: {  	_ =	shalt  }
0x51: {  	_ =	shalt  }
0x52: {  	_ =	shalt  }
0x53: {  	_ =	shalt  }
0x54: {  	_ =	shalt  }
0x55: {  	_ =	shalt  }
0x56: {  	_ =	shalt  }
0x57: {  	_ =	shalt  }
0x58: {  	_ =	shalt  }
0x59: {  	_ =	shalt  }
0x5a: {  	_ =	shalt  }
0x5b: {  	_ =	shalt  }
0x5c: {  	_ =	shalt  }
0x5d: {  	_ =	shalt  }
0x5e: {  	_ =	shalt  }
0x5f: {  	_ =	shalt  }
0x60: {  	_ =	shalt  }
0x61: {  	_ =	shalt  }
0x62: {  	_ =	shalt  }
0x63: {  	_ =	shalt  }
0x64: {  	_ =	shalt  }
0x65: {  	_ =	shalt  }
0x66: {  	_ =	shalt  }
0x67: {  	_ =	shalt  }
0x68: {  	_ =	shalt  }
0x69: {  	_ =	shalt  }
0x6a: {  	_ =	shalt  }
0x6b: {  	_ =	shalt  }
0x6c: {  	_ =	shalt  }
0x6d: {  	_ =	shalt  }
0x6e: {  	_ =	shalt  }
0x6f: {  	_ =	shalt  }
0x70: {  	_ =	shalt  }
0x71: {  	_ =	shalt  }
0x72: {  	_ =	shalt  }
0x73: {  	_ =	shalt  }
0x74: {  	_ =	shalt  }
0x75: {  	_ =	shalt  }
0x76: {  	_ =	shalt  }
0x77: {  	_ =	shalt  }
0x78: {  	_ =	shalt  }
0x79: {  	_ =	shalt  }
0x7a: {  	_ =	shalt  }
0x7b: {  	_ =	shalt  }
0x7c: {  	_ =	shalt  }
0x7d: {  	_ =	shalt  }
0x7e: {  	_ =	shalt  }
0x7f: {  	_ =	shalt  }
0x80: {  	_ =	shalt  }
0x81: {  	_ =	shalt  }
0x82: {  	_ =	shalt  }
0x83: {  	_ =	shalt  }
0x84: {  	_ =	shalt  }
0x85: {  	_ =	shalt  }
0x86: {  	_ =	shalt  }
0x87: {  	_ =	shalt  }
.Lfunc_end0:
.L_simem_size_0:
called_computation_lowered:
.L_overlay_start_0:
0x88: {  	s2 =	sld [smem:$0x3FD9]  }
0x89: {  	s3 =	sld [smem:$0x3FFE];
	_ =	sdelay $0x1  }
0x8a: {  	s1 =	srdreg.scid  }
0x8b: {  	s0 =	sand.u32 $0x1, s1  }
0x8c: {  	s17 =	sshll.u32 s0, $0xA;
	s2 =	sadd.s32 s3, s2  }
0x8d: {  	s2 =	sadd.s32 s2, s17  }
0x8e: {  	[smem:$0x3FC4] =	sst s2  }
0x8f: {  	_ = 	snop  }
0x90: {  	s2 =	sld [smem:$0x3FC9]  }
0x91: {  	s18 =	sld [smem:$0x3FD0];
	(tm) =	ssettm $0x1  }
0x92: {  	s4 =	sld [smem:$0x3FFB];
	_ =	sdelay $0x3  }
0x93: {  	_ =	strace s4  }
0x94: {  	s4 =	sld [smem:$0x3FFC];
	_ =	sdelay $0x3  }
0x95: {  	_ =	strace s4  }
0x96: {  	s4 =	sld [smem:$0x3FFD];
	_ =	sdelay $0x3  }
0x97: {  	_ =	strace s4  }
0x98: {  	_ =	strace $0x8FFFFFFF  }
0x99: {  	s19 =	sld [smem:$0x3FDB];
	_ =	sdelay $0x1  }
0x9a: {  	s5 =	simm.s32 $_scs_section_size  }
0x9b: {  	s6 =	simm.s32 $_size__tile_overlayer_lowered;
	s7 =	simm.s32 $_tile_overlayer_lowered  }
0x9c: {  	s22 =	simm.s32 $0x1BFF;
	s21 =	sshll.u32 s7, $0x1;
	s4 =	sadd.s32 s5, s19  }
0x9d: {  	s8 =	simm.s32 $0x0;
	s20 =	sshll.u32 s6, $0x1;
	s6 =	sadd.s32 s21, s4  }
0x9e: {  	[timem:s8], [sflag:s22] =	dma.local [hbm:s6], s20  }
0x9f: {  	_ =	swait.ge [sflag:s22], s20  }
0xa0: {  	s5 =	ssub.s32 $0x0, s20;
	[sflag:s22] =	ssyncset.done $0x0  }
0xa1: {  	[sflag:s22] =	ssyncadd.s32 s5;
	_ =	sdelay $0x1  }
0xa2: {  	s23 =	simm.s32 $0x1B8B  }
0xa3: {  	_ =	swait.ge [sflag:s23], $0x1  }
0xa4: {  	[sflag:s23] =	ssyncset.done $0x0  }
0xa5: {  	s25 =	simm.s32 $0x1B8E;
	s24 =	sld [smem:$0x3FFE];
	[sflag:s23] =	ssyncadd.s32 $0xFFFFFFFF  }
0xa6: {  	s26 =	simm.s32 $execute0_lowered;
	[smem:$0x3FD2] =	sst s25  }
0xa7: {  	s6 =	sshll.u32 s26, $0x1;
	_ =	strace $0x80000046;
	[dreg:$0x1] =	wrdreg $0xFFFFFFFF  }
0xa8: {  	s28 =	simm.s32 $_size_execute0_lowered;
	s4 =	sadd.s32 s4, s6;
	[dreg:$0x0] =	wrdreg $0x0  }
0xa9: {  	s6 =	sshll.u32 s28, $0x1;
	[dreg:$0x2] =	wrdreg s4  }
0xaa: {  	[dreg:$0x3] =	wrdreg s6  }
0xab: {  	[dreg:$0x4] =	wrdreg $0xC0  }
0xac: {  	_ =	task [dreg:s8], $0x5FFFF  }
0xad: {  	[dreg:$0x1] =	wrdreg $0xFFFFFFFF  }
0xae: {  	[dreg:$0x0] =	wrdreg $0x60  }
0xaf: {  	[dreg:$0x2] =	wrdreg s2  }
0xb0: {  	[dreg:$0x3] =	wrdreg s24  }
0xb1: {  	[dreg:$0x4] =	wrdreg s18  }
0xb2: {  	[dreg:$0x5] =	wrdreg $0x9  }
0xb3: {  	_ =	task.clear_ibuf [dreg:s8], $0x6FFFF;
	_ =	strace $0x90000046  }
0xb4: {  	s29 =	simm.s32 $0x9;
	_ =	strace $0x80000048  }
0xb5: {  	_ =	swait.ge [sflag:s29], $0x1  }
0xb6: {  	[sflag:s29] =	ssyncadd.s32 $0xFFFFFFFF  }
0xb7: {  	_ =	strace $0x90000048  }
0xb8: {  	_ =	sfence  }
0xb9: {  	s30 =	sld [smem:$0x0];
	_ =	sdelay $0x2  }
0xba: {  	s31 =	sshll.u32 s1, $0xD;
	s1 =	sshrl.u32 s1, $0x2  }
0xbb: {  	s3 =	sand.u32 $0x4000, s31;
	s1 =	sadd.s32 s1, s30  }
0xbc: {  	s0 =	sor.u32 s3, s0;
	s1 =	sshll.u32 s1, $0x11  }
0xbd: {  	s0 =	sor.u32 s1, s0  }
0xbe: {  	s0 =	sadd.s32 $0x8F2B, s0  }
0xbf: {  	[sflag:s0] =	ssyncadd.remote.s32 $0x1  }
0xc0: {  	_ =	sfence.sel $0xFFFF  }
0xc1: {  	[dreg:$0x0] =	wrdreg $0xFFFFFFFF;
	(pc) =	sbr.abs _section_cstart, $3  }
0xc2: {  	[dreg:$0x1] =	wrdreg $0xFFFFFFFF  }
0xc3: {  	_ =	task.clear_ibuf [dreg:s8], $0x2FFFF;
	_ =	strace $0x9FFFFFFF  }
0xc4: {  	(tm) =	ssettm $0x7FFFFFFF  }
0xc5: {  	_ =	shalt  }
tec
execute0_lowered:
.L_overlay_start_1:
0x0: {  	(tag) =	ssettag $0x1  }
0x1: {  	s1 =	rddreg [dreg:$0x0]  }
0x2: {  	s0 =	rddreg [dreg:$0x1]  }
0x3: {  	s2 =	rddreg [dreg:$0x2];
	s3 =	simm.s32 $0x0;
	s4 =	srdreg.scid  }
0x4: {  	s5 =	stileid.u32;
	s13 =	simm.s32 $0x3;
	s15 =	simm.s32 $0x20  }
0x5: {  	s17 =	simm.s32 $0x78;
	s25 =	simm.s32 $0x1;
	s29 =	simm.s32 $0x8C00  }
0x6: {  	s30 =	simm.s32 $0x298;
	s31 =	simm.s32 $0xAA00;
	s16 =	simm.s32 $0x388  }
0x7: {  	s18 =	simm.s32 $0xE600;
	s19 =	simm.s32 $0x10400;
	s20 =	simm.s32 $0x2  }
0x8: {  	s21 =	simm.s32 $0x10600;
	[smem:$0x7FF] =	sst s3;
	s6 =	sand.u32 $0x1, s4  }
0x9: {  	s4 =	sadd.s32 $0x600, s0;
	s8 =	sshll.u32 s5, $0x1;
	s5 =	sadd.s32 $0x16E3C00, s0  }
0xa: {  	_ =	strace $0x80000047;
	s7 =	ssub.s32 $0x2, s6;
	s10 =	sor.u32 s6, s8  }
0xb: {  	s6 =	sadd.s32 $0xF42A00, s0;
	s9 =	sshrl.u32 s7, $0x1;
	s8 =	sshll.u32 s10, $0x6  }
0xc: {  	v0 =	vlaneseq.u32;
	vm0 =	vcmask $0x704;
	vm1 =	vcmask $0x73C;
	s28 =	smul.u32 $0x3C0, s10;
	s26 =	ssub.s32 s7, s9;
	s11 =	sadd.s32 s1, s8  }
0xd: {  	vm2 =	vcmask $0xB3C;
	vm3 =	vcmask $0xF3C;
	vm4 =	vcmask $0x133C;
	s7 =	sshll.u32 s10, $0x9;
	s10 =	sshll.u32 s10, $0xA;
	[dreg:$0x4] =	wrdreg s11  }
0xe: {  	vm5 =	vcmask $0x173C;
	vm6 =	vcmask $0x1B3C;
	vm7 =	vcmask $0x1F3C;
	s9 =	sadd.s32 s4, s28;
	s11 =	sadd.s32 s2, s10;
	s0 =	smax.u32 s26, $0x1  }
0xf: {  	vm8 =	vcmask $0x233C;
	vm9 =	vcmask $0x273C;
	vm10 =	vcmask $0x2B3C;
	s26 =	simm.s32 $0x220;
	s2 =	simm.s32 $0xC800;
	[dreg:$0x5] =	wrdreg s9  }
0x10: {  	vm11 =	vcmask $0x2F3C;
	vm12 =	vcmask $0x333C;
	vm13 =	vcmask $0x373C;
	s10 =	simm.s32 $0x0;
	[dreg:$0x6] =	wrdreg s0;
	s0 =	simm.s32 $0x310  }
.LBB2_1:
0x11: {  	[dreg:$0x7] =	wrdreg s10  }
0x12: {  	s9 =	rddreg [dreg:$0x4]  }
0x13: {  	[tilespmem:s3], [sflag:$0x3] =	stream.linear.gather [hbm4b:s9+s3], $0x20, $0x38;
	[tilespmem:$0x10800] =	vst v63  }
0x14: {  	_ =	swait.ge [sflag:s13], $0x20  }
0x15: {  	[sflag:s13] =	ssyncset.done $0x0  }
0x16: {  	s23 =	simm.s32 $0x40;
	s22 =	rddreg [dreg:$0x5];
	[sflag:s13] =	ssyncadd.s32 $0xFFFFFFE0  }
0x17: {  	[tilespmem:s23], [sflag:$0x3] =	stream.linear.gather [hbm4b:s22+s3], $0x1E0, $0x38;
	[tilespmem:$0x10800] =	vst v63  }
0x18: {  	_ =	swait.ge [sflag:s13], $0x1E0  }
0x19: {  	[sflag:s13] =	ssyncset.done $0x0  }
0x1a: {  	s24 =	simm.s32 $0x400;
	[sflag:s13] =	ssyncadd.s32 $0xFFFFFE20  }
0x1b: {  	[tilespmem:s24], [sflag:$0x1] =	stream.indirect.gather [hbm4b:s5+s15], $0x40, s3, s15, $0xb8;
	[tilespmem:$0x10800] =	vst v63  }
0x1c: {  	s28 =	simm.s32 $0x1400  }
0x1d: {  	[tilespmem:s28], [sflag:$0x1] =	stream.indirect.gather [hbm4b:s6+s17], $0x40, s23, s17, $0xb8;
	[tilespmem:$0x10800] =	vst v63  }
0x1e: {  	s12 =	simm.s32 $0xB8;
	s14 =	simm.s32 $0x3200  }
0x1f: {  	[tilespmem:s14], [sflag:$0x1] =	stream.indirect.gather [hbm4b:s6+s17], $0x40, s12, s17, $0xb8;
	[tilespmem:$0x10800] =	vst v63  }
0x20: {  	s22 =	simm.s32 $0x130;
	s23 =	simm.s32 $0x5000  }
0x21: {  	[tilespmem:s23], [sflag:$0x1] =	stream.indirect.gather [hbm4b:s6+s17], $0x40, s22, s17, $0xb8;
	[tilespmem:$0x10800] =	vst v63  }
0x22: {  	s24 =	simm.s32 $0x1A8;
	s28 =	simm.s32 $0x6E00;
	s23 =	simm.s32 $0x0  }
0x23: {  	[tilespmem:s28], [sflag:$0x1] =	stream.indirect.gather [hbm4b:s6+s17], $0x40, s24, s17, $0xb8;
	[tilespmem:$0x10800] =	vst v63  }
.LBB2_2:
0x24: {  	_ =	swait.ge [sflag:s25], $0x800  }
0x25: {  	[sflag:s25] =	ssyncset.done $0x0  }
0x26: {  	[sflag:s25] =	ssyncadd.s32 $0xFFFFF800  }
0x27: {  	_ =	swait.ge [sflag:s25], $0x1E00  }
0x28: {  	[sflag:s25] =	ssyncset.done $0x0  }
0x29: {  	[sflag:s25] =	ssyncadd.s32 $0xFFFFE200  }
0x2a: {  	_ =	swait.ge [sflag:s25], $0x1E00  }
0x2b: {  	[sflag:s25] =	ssyncset.done $0x0  }
0x2c: {  	[sflag:s25] =	ssyncadd.s32 $0xFFFFE200  }
0x2d: {  	_ =	swait.ge [sflag:s25], $0x1E00  }
0x2e: {  	s24 =	sshllo.u32 s23, $0x1;
	[sflag:s25] =	ssyncset.done $0x0  }
0x2f: {  	s9 =	sshll.u32 s24, $0x5;
	[sflag:s25] =	ssyncadd.s32 $0xFFFFE200  }
0x30: {  	s9 =	sadd.s32 s7, s9;
	_ =	swait.ge [sflag:s25], $0x1E00  }
0x31: {  	s14 =	simm.s32 $0x0;
	s9 =	sshrl.u32 s9, $0x3;
	[sflag:s25] =	ssyncset.done $0x0  }
0x32: {  	s22 =	sshll.u32 s24, $0x2;
	s9 =	sadd.s32 s1, s9;
	[sflag:s25] =	ssyncadd.s32 $0xFFFFE200  }
0x33: {  	[tilespmem:s15], [sflag:$0x3] =	stream.linear.gather [hbm4b:s9+s14], $0x20, $0x38;
	[tilespmem:$0x10800] =	vst v63  }
0x34: {  	s9 =	sadd.s32 s8, s22  }
0x35: {  	_ =	swait.ge [sflag:s13], $0x20;
	s9 =	smul.u32 $0xF, s9  }
0x36: {  	[sflag:s13] =	ssyncset.done $0x0  }
0x37: {  	[sflag:s13] =	ssyncadd.s32 $0xFFFFFFE0;
	s9 =	sadd.s32 s4, s9  }
0x38: {  	[tilespmem:s26], [sflag:$0x3] =	stream.linear.gather [hbm4b:s9+s14], $0x1E0, $0x38;
	[tilespmem:$0x10800] =	vst v63  }
0x39: {  	_ =	swait.ge [sflag:s13], $0x1E0  }
0x3a: {  	[sflag:s13] =	ssyncset.done $0x0  }
0x3b: {  	s28 =	simm.s32 $0xC00;
	[sflag:s13] =	ssyncadd.s32 $0xFFFFFE20  }
0x3c: {  	[tilespmem:s28], [sflag:$0x2] =	stream.indirect.gather [hbm4b:s5+s15], $0x40, s15, s15, $0xb8;
	[tilespmem:$0x10800] =	vst v63  }
0x3d: {  	_ = 	snop  }
0x3e: {  	[tilespmem:s29], [sflag:$0x2] =	stream.indirect.gather [hbm4b:s6+s17], $0x40, s26, s17, $0xb8;
	[tilespmem:$0x10800] =	vst v63  }
0x3f: {  	_ = 	snop  }
0x40: {  	[tilespmem:s31], [sflag:$0x2] =	stream.indirect.gather [hbm4b:s6+s17], $0x40, s30, s17, $0xb8;
	[tilespmem:$0x10800] =	vst v63  }
0x41: {  	_ = 	snop  }
0x42: {  	[tilespmem:s2], [sflag:$0x2] =	stream.indirect.gather [hbm4b:s6+s17], $0x40, s0, s17, $0xb8;
	[tilespmem:$0x10800] =	vst v63  }
0x43: {  	s9 =	simm.s32 $0x15E0  }
0x44: {  	[tilespmem:s18], [sflag:$0x2] =	stream.indirect.gather [hbm4b:s6+s17], $0x40, s16, s17, $0xb8;
	[tilespmem:$0x10800] =	vst v63  }
0x45: {  	v7 =	vld [tilespmem:s9+$0x1A0]  }
0x46: {  	v8 =	vld [tilespmem:s9+$0x1B0]  }
0x47: {  	v9 =	vld [tilespmem:s9+$0x1C0]  }
0x48: {  	v10 =	vld [tilespmem:s9+$0x1D0]  }
0x49: {  	v11 =	vld [tilespmem:s9+$0x160]  }
0x4a: {  	v12 =	vld [tilespmem:s9+$0x170]  }
0x4b: {  	v13 =	vld [tilespmem:s9+$0x180]  }
0x4c: {  	v14 =	vld [tilespmem:s9+$0x190]  }
0x4d: {  	v1 =	vld [tilespmem:s9+$0x120]  }
0x4e: {  	v15 =	vld [tilespmem:s9+$0xE0]  }
0x4f: {  	v16 =	vld [tilespmem:s9+$0xF0]  }
0x50: {  	v17 =	vld [tilespmem:s9+$0x100]  }
0x51: {  	v18 =	vld [tilespmem:s9+$0x110]  }
0x52: {  	v19 =	vld [tilespmem:s9+$0xA0]  }
0x53: {  	v20 =	vld [tilespmem:s9+$0xB0]  }
0x54: {  	v21 =	vld [tilespmem:s9+$0xC0]  }
0x55: {  	v22 =	vld [tilespmem:s9+$0xD0]  }
0x56: {  	s12 =	simm.s32 $0x420;
	v6 =	vld [tilespmem:s9+$0x60]  }
0x57: {  	v5 =	vld [tilespmem:s12+$0xFFFFFFE0]  }
0x58: {  	v3 =	vld [tilespmem:s12+$0xFFFFFFF0]  }
0x59: {  	v2 =	vld [tilespmem:s12+$0x0]  }
0x5a: {  	v4 =	vld [tilespmem:s12+$0x10]  }
0x5b: {  	v23 =	vld [tilespmem:s9+$0x20]  }
0x5c: {  	v24 =	vld [tilespmem:s9+$0x30]  }
0x5d: {  	v25 =	vld [tilespmem:s9+$0x40]  }
0x5e: {  	v26 =	vld [tilespmem:s9+$0x50]  }
0x5f: {  	v27 =	vld [tilespmem:s9+$0xFFFFFFE0];
	v7 =	vmul.f32 v7, v5  }
0x60: {  	v28 =	vld [tilespmem:s9+$0xFFFFFFF0];
	v8 =	vmul.f32 v8, v3;
	v30 =	vmul.f32 v9, v2  }
0x61: {  	v29 =	vld [tilespmem:s9+$0x0];
	v10 =	vmul.f32 v10, v4;
	v11 =	vmul.f32 v11, v5  }
0x62: {  	v31 =	vld [tilespmem:s9+$0x10];
	v12 =	vmul.f32 v12, v3;
	v15 =	vmul.f32 v15, v5;
	v7 =	vadd.f32 v8, v7  }
0x63: {  	v61 =	vld [tilespmem:s9+$0xFFFFFF70];
	v8 =	vadd.f32 v10, v30;
	v10 =	vmul.f32 v13, v2;
	v13 =	vmul.f32 v14, v4  }
0x64: {  	v63 =	vld [tilespmem:s9+$0xFFFFFE60];
	v16 =	vmul.f32 v16, v3;
	v11 =	vadd.f32 v12, v11;
	v12 =	vmul.f32 v17, v2  }
0x65: {  	v9 =	vld [tilespmem:s9+$0xFFFFFFA0];
	v10 =	vadd.f32 v13, v10;
	v13 =	vmul.f32 v18, v4;
	v7 =	vadd.f32 v8, v7  }
0x66: {  	v14 =	vld [tilespmem:s9+$0xFFFFFF60];
	v8 =	vmul.f32 v19, v5;
	v19 =	vmul.f32 v20, v3  }
0x67: {  	v17 =	vld [tilespmem:s9+$0xFFFFFF80];
	v15 =	vadd.f32 v16, v15;
	v20 =	vmul.f32 v21, v2;
	v21 =	vmul.f32 v22, v4;
	(xrf2) =	vadd.scan.msk.f32 $0xffff, v7  }
0x68: {  	v16 =	vld [tilespmem:s9+$0xFFFFFF30];
	v10 =	vadd.f32 v10, v11;
	v12 =	vadd.f32 v13, v12  }
0x69: {  	v18 =	vld [tilespmem:s9+$0xFFFFFF90];
	v8 =	vadd.f32 v19, v8;
	v13 =	vadd.f32 v21, v20  }
0x6a: {  	v22 =	vld [tilespmem:s9+$0xFFFFFEA0];
	v21 =	vmul.f32 v26, v4;
	v7 =	vadd.f32 v12, v15;
	(xrf2) =	vadd.scan.msk.f32 $0xffff, v10;
	v10 =	vmul.f32 v23, v5  }
0x6b: {  	v11 =	vld [tilespmem:s9+$0xFFFFFF20];
	v15 =	vmul.f32 v24, v3;
	v8 =	vadd.f32 v13, v8;
	v13 =	vmul.f32 v25, v2  }
0x6c: {  	v19 =	vld [tilespmem:s9+$0xFFFFFF40];
	v23 =	vmul.f32 v28, v3  }
0x6d: {  	v20 =	vld [tilespmem:s9+$0xFFFFFF50];
	(xrf2) =	vadd.scan.msk.f32 $0xffff, v7;
	v7 =	vmul.f32 v27, v5;
	v10 =	vadd.f32 v15, v10;
	v21 =	vadd.f32 v21, v13  }
0x6e: {  	v26 =	vld [tilespmem:s9+$0xFFFFFEC0];
	v25 =	vmul.f32 v31, v4;
	(xrf2) =	vadd.scan.msk.f32 $0xffff, v8;
	v8 =	vmul.f32 v29, v2  }
0x6f: {  	v62 =	vmul.f32 v61, v3;
	v12 =	vld [tilespmem:s9+$0xFFFFFEE0];
	v10 =	vadd.f32 v21, v10  }
0x70: {  	v17 =	vmul.f32 v17, v2;
	v24 =	vld [tilespmem:s9+$0xFFFFFEB0];
	v23 =	vadd.f32 v23, v7;
	v8 =	vadd.f32 v25, v8  }
0x71: {  	v18 =	vmul.f32 v18, v4;
	v15 =	vmul.f32 v14, v5;
	v27 =	vld [tilespmem:s9+$0xFFFFFED0];
	v7, _, _ =	vpop (xrf2);
	(xrf2) =	vadd.scan.msk.f32 $0xffff, v10  }
0x72: {  	v14 =	vld [tilespmem:s9+$0xFFFFFE70];
	v11 =	vmul.f32 v11, v5;
	v25 =	vmul.f32 v16, v3;
	v21 =	vadd.f32 v8, v23  }
0x73: {  	v13 =	vld [tilespmem:s9+$0xFFFFFE80];
	v17 =	vadd.f32 v18, v17;
	v28 =	vadd.f32 v62, v15  }
0x74: {  	v18 =	vmul.f32 v19, v2;
	v19 =	vmul.f32 v20, v4;
	v15 =	vld [tilespmem:s9+$0xFFFFFE90];
	v11 =	vadd.f32 v25, v11;
	v8, _, _ =	vpop (xrf2);
	(xrf2) =	vadd.scan.msk.f32 $0xffff, v21  }
0x75: {  	v16 =	vld [tilespmem:s9+$0xFFFFFE20];
	v28 =	vadd.f32 v17, v28  }
0x76: {  	v20 =	vmul.f32 v22, v5;
	v22 =	vadd.f32 v19, v18;
	v18 =	vld [tilespmem:s9+$0xFFFFFE40];
	v23 =	vmul.f32 v24, v3  }
0x77: {  	v17 =	vld [tilespmem:s9+$0xFFFFFE30];
	v24 =	vmul.f32 v26, v2;
	v25 =	vmul.f32 v27, v4;
	v10, _, _ =	vpop (xrf2);
	(xrf2) =	vadd.scan.msk.f32 $0xffff, v28  }
0x78: {  	s10 =	sshll.u32 s23, $0x1;
	s22 =	simm.s32 $0x40;
	v19 =	vld [tilespmem:s9+$0xFFFFFE50];
	v22 =	vadd.f32 v22, v11;
	v21 =	vmul.f32 v63, v5;
	v11, _, _ =	vpop (xrf2)  }
.LBB2_3:
0x79: {  	p0 =	sne.s32 s22, $0x7C0;
	v14 =	vmul.f32 v14, v3;
	v20 =	vadd.f32 v23, v20;
	v26 =	vadd.f32 v25, v24;
	v24 =	vld [tilespmem:s9+$0xFFFFFEF0]  }
0x7a: {  	v13 =	vmul.f32 v13, v2;
	v15 =	vmul.f32 v15, v4;
	v25 =	vld [tilespmem:s9+$0xFFFFFF00];
	(xrf2) =	vadd.scan.msk.f32 $0xffff, v22  }
0x7b: {  	v16 =	vmul.f32 v16, v5;
	v26 =	vadd.f32 v26, v20;
	v22 =	vld [tilespmem:s9+$0xFFFFFF10];
	v23, _, _ =	vpop (xrf2)  }
0x7c: {  	v17 =	vmul.f32 v17, v3;
	v14 =	vadd.f32 v14, v21;
	v13 =	vadd.f32 v15, v13;
	v15 =	vld [tilespmem:s9+$0xFFFFFFB0]  }
0x7d: {  	v18 =	vmul.f32 v18, v2;
	v19 =	vmul.f32 v19, v4;
	v21 =	vld [tilespmem:s9+$0xFFFFFFC0];
	(xrf2) =	vadd.scan.msk.f32 $0xffff, v26  }
0x7e: {  	v12 =	vmul.f32 v12, v5;
	v13 =	vadd.f32 v13, v14;
	v14 =	vld [tilespmem:s9+$0xFFFFFFD0];
	v20, _, _ =	vpop (xrf2)  }
0x7f: {  	v16 =	vadd.f32 v17, v16;
	v26 =	vadd.f32 v19, v18;
	v18 =	vmul.f32 v24, v3;
	v19 =	vld [tilespmem:s9+$0x70]  }
0x80: {  	v24 =	vmul.f32 v25, v2;
	v22 =	vmul.f32 v22, v4;
	v25 =	vld [tilespmem:s9+$0x80];
	(xrf2) =	vadd.scan.msk.f32 $0xffff, v13  }
0x81: {  	v9 =	vmul.f32 v9, v5;
	v13 =	vadd.f32 v26, v16;
	v16 =	vld [tilespmem:s9+$0x90];
	v17, _, _ =	vpop (xrf2)  }
0x82: {  	v12 =	vadd.f32 v18, v12;
	v15 =	vmul.f32 v15, v3;
	v26 =	vadd.f32 v22, v24;
	v22 =	vld [tilespmem:s9+$0x130]  }
0x83: {  	v21 =	vmul.f32 v21, v2;
	v14 =	vmul.f32 v14, v4;
	v24 =	vld [tilespmem:s9+$0x140];
	(xrf2) =	vadd.scan.msk.f32 $0xffff, v13  }
0x84: {  	v6 =	vmul.f32 v6, v5;
	v12 =	vadd.f32 v26, v12;
	v13 =	vld [tilespmem:s9+$0x150];
	v18, _, _ =	vpop (xrf2)  }
0x85: {  	v9 =	vadd.f32 v15, v9;
	v15 =	vmul.f32 v19, v3;
	v14 =	vadd.f32 v14, v21  }
0x86: {  	v19 =	vmul.f32 v25, v2;
	v16 =	vmul.f32 v16, v4;
	(xrf2) =	vadd.scan.msk.f32 $0xffff, v12  }
0x87: {  	v1 =	vmul.f32 v1, v5;
	v14 =	vadd.f32 v14, v9;
	v5, _, _ =	vpop (xrf2)  }
0x88: {  	v6 =	vadd.f32 v15, v6;
	v3 =	vmul.f32 v22, v3;
	v12 =	vadd.f32 v16, v19  }
0x89: {  	v2 =	vmul.f32 v24, v2;
	v4 =	vmul.f32 v13, v4;
	(xrf2) =	vadd.scan.msk.f32 $0xffff, v14  }
0x8a: {  	v6 =	vadd.f32 v12, v6;
	v9, _, _ =	vpop (xrf2)  }
0x8b: {  	v1 =	vadd.f32 v3, v1;
	v3 =	vadd.f32 v4, v2  }
0x8c: {  	(xrf2) =	vadd.scan.msk.f32 $0xffff, v6  }
0x8d: {  	v1 =	vadd.f32 v3, v1;
	v2, _, _ =	vpop (xrf2)  }
0x8e: {  	v2 =	vbroadcast v2, $0xF  }
0x8f: {  	vm14 =	veq.s32 v0, $0xF;
	v3 =	vbroadcast v9, $0xF;
	(xrf2) =	vadd.scan.msk.f32 $0xffff, v1  }
0x90: {  	v1 =	vsel vm14, $0x0, v2;
	v2 =	vbroadcast v5, $0xF;
	v4, _, _ =	vpop (xrf2)  }
0x91: {  	v1 =	vsel vm0, v3, v1;
	v3 =	vbroadcast v4, $0xF  }
0x92: {  	v1 =	vsel vm1, v1, v2;
	v2 =	vbroadcast v18, $0xF  }
0x93: {  	v1 =	vsel vm2, v1, v3;
	v3 =	vbroadcast v17, $0xF;
	v4, _, _ =	vpop (xrf2)  }
0x94: {  	v1 =	vsel vm3, v1, v2;
	v2 =	vbroadcast v4, $0xF  }
0x95: {  	v1 =	vsel vm4, v1, v3;
	v3 =	vbroadcast v20, $0xF  }
0x96: {  	v1 =	vsel vm5, v1, v2;
	v2 =	vbroadcast v23, $0xF;
	v4, _, _ =	vpop (xrf2)  }
0x97: {  	v1 =	vsel vm6, v1, v3;
	v3 =	vbroadcast v4, $0xF  }
0x98: {  	v1 =	vsel vm7, v1, v2;
	v2 =	vbroadcast v11, $0xF  }
0x99: {  	v1 =	vsel vm8, v1, v3;
	v3 =	vbroadcast v10, $0xF;
	v4, _, _ =	vpop (xrf2)  }
0x9a: {  	v1 =	vsel vm9, v1, v2;
	v2 =	vbroadcast v4, $0xF  }
0x9b: {  	v1 =	vsel vm10, v1, v3;
	v3 =	vbroadcast v8, $0xF  }
0x9c: {  	v1 =	vsel vm11, v1, v2;
	v2 =	vbroadcast v7, $0xF  }
0x9d: {  	v1 =	vsel vm12, v1, v3  }
0x9e: {  	s28 =	sshra.s32 s14, $0x2;
	s14 =	smov.u32 s22;
	v1 =	vsel vm13, v1, v2  }
0x9f: {  	s9 =	sadd.s32 $0x3C0, s9;
	[tilespmem:s28+$0x10400] =	vst v1  }
0xa0: {  	v7 =	vld [tilespmem:s9+$0x1A0]  }
0xa1: {  	v8 =	vld [tilespmem:s9+$0x1B0]  }
0xa2: {  	v9 =	vld [tilespmem:s9+$0x1C0]  }
0xa3: {  	v10 =	vld [tilespmem:s9+$0x1D0]  }
0xa4: {  	v11 =	vld [tilespmem:s9+$0x160]  }
0xa5: {  	v12 =	vld [tilespmem:s9+$0x170]  }
0xa6: {  	v13 =	vld [tilespmem:s9+$0x180]  }
0xa7: {  	v14 =	vld [tilespmem:s9+$0x190]  }
0xa8: {  	v1 =	vld [tilespmem:s9+$0x120]  }
0xa9: {  	v15 =	vld [tilespmem:s9+$0xE0]  }
0xaa: {  	v16 =	vld [tilespmem:s9+$0xF0]  }
0xab: {  	v17 =	vld [tilespmem:s9+$0x100]  }
0xac: {  	v18 =	vld [tilespmem:s9+$0x110]  }
0xad: {  	v19 =	vld [tilespmem:s9+$0xA0]  }
0xae: {  	v20 =	vld [tilespmem:s9+$0xB0]  }
0xaf: {  	v21 =	vld [tilespmem:s9+$0xC0]  }
0xb0: {  	v22 =	vld [tilespmem:s9+$0xD0]  }
0xb1: {  	s12 =	sadd.s32 $0x40, s12;
	v6 =	vld [tilespmem:s9+$0x60]  }
0xb2: {  	v5 =	vld [tilespmem:s12+$0xFFFFFFE0]  }
0xb3: {  	v3 =	vld [tilespmem:s12+$0xFFFFFFF0]  }
0xb4: {  	v2 =	vld [tilespmem:s12+$0x0]  }
0xb5: {  	v4 =	vld [tilespmem:s12+$0x10]  }
0xb6: {  	v23 =	vld [tilespmem:s9+$0x20]  }
0xb7: {  	v24 =	vld [tilespmem:s9+$0x30]  }
0xb8: {  	v25 =	vld [tilespmem:s9+$0x40]  }
0xb9: {  	v7 =	vmul.f32 v7, v5;
	v8 =	vmul.f32 v8, v3;
	v26 =	vld [tilespmem:s9+$0x50]  }
0xba: {  	v9 =	vmul.f32 v9, v2;
	v27 =	vld [tilespmem:s9+$0xFFFFFFE0];
	v10 =	vmul.f32 v10, v4  }
0xbb: {  	v11 =	vmul.f32 v11, v5;
	v28 =	vld [tilespmem:s9+$0xFFFFFFF0]  }
0xbc: {  	v12 =	vmul.f32 v12, v3;
	v7 =	vadd.f32 v8, v7;
	v29 =	vld [tilespmem:s9+$0x0];
	v8 =	vadd.f32 v10, v9  }
0xbd: {  	v13 =	vmul.f32 v13, v2;
	v14 =	vmul.f32 v14, v4;
	v10 =	vld [tilespmem:s9+$0x10]  }
0xbe: {  	v15 =	vmul.f32 v15, v5;
	v9 =	vld [tilespmem:s9+$0xFFFFFFA0];
	v7 =	vadd.f32 v8, v7  }
0xbf: {  	v16 =	vmul.f32 v16, v3;
	v11 =	vadd.f32 v12, v11;
	v12 =	vadd.f32 v14, v13;
	v8 =	vld [tilespmem:s9+$0xFFFFFF60]  }
0xc0: {  	v14 =	vmul.f32 v17, v2;
	v17 =	vmul.f32 v18, v4;
	v13 =	vld [tilespmem:s9+$0xFFFFFF70];
	(xrf2) =	vadd.scan.msk.f32 $0xffff, v7  }
0xc1: {  	v11 =	vadd.f32 v12, v11;
	v7 =	vmul.f32 v19, v5;
	v18 =	vld [tilespmem:s9+$0xFFFFFF80]  }
0xc2: {  	v15 =	vadd.f32 v16, v15;
	v12 =	vmul.f32 v20, v3;
	v14 =	vadd.f32 v17, v14;
	v19 =	vld [tilespmem:s9+$0xFFFFFF90]  }
0xc3: {  	v17 =	vmul.f32 v21, v2;
	v20 =	vmul.f32 v22, v4;
	v16 =	vld [tilespmem:s9+$0xFFFFFF20];
	(xrf2) =	vadd.scan.msk.f32 $0xffff, v11  }
0xc4: {  	v21 =	vmul.f32 v23, v5;
	v14 =	vadd.f32 v14, v15;
	v11 =	vld [tilespmem:s9+$0xFFFFFF30]  }
0xc5: {  	v15 =	vmul.f32 v24, v3;
	v17 =	vadd.f32 v20, v17;
	v7 =	vadd.f32 v12, v7;
	v22 =	vld [tilespmem:s9+$0xFFFFFF40]  }
0xc6: {  	v23 =	vmul.f32 v25, v2;
	v24 =	vmul.f32 v26, v4;
	v20 =	vld [tilespmem:s9+$0xFFFFFF50];
	(xrf2) =	vadd.scan.msk.f32 $0xffff, v14  }
0xc7: {  	v30 =	vadd.f32 v17, v7;
	v14 =	vmul.f32 v27, v5;
	v12 =	vld [tilespmem:s9+$0xFFFFFEE0]  }
0xc8: {  	v25 =	vmul.f32 v28, v3;
	v15 =	vadd.f32 v15, v21;
	v21 =	vadd.f32 v24, v23;
	v17 =	vld [tilespmem:s9+$0xFFFFFEA0]  }
0xc9: {  	v24 =	vmul.f32 v29, v2;
	v10 =	vmul.f32 v10, v4;
	v23 =	vld [tilespmem:s9+$0xFFFFFEB0];
	(xrf2) =	vadd.scan.msk.f32 $0xffff, v30  }
0xca: {  	v29 =	vadd.f32 v21, v15;
	v27 =	vmul.f32 v8, v5;
	v26 =	vld [tilespmem:s9+$0xFFFFFEC0];
	v7, _, _ =	vpop (xrf2)  }
0xcb: {  	v10 =	vadd.f32 v10, v24;
	v15 =	vmul.f32 v13, v3;
	v13 =	vadd.f32 v25, v14;
	v21 =	vld [tilespmem:s9+$0xFFFFFED0]  }
0xcc: {  	v18 =	vmul.f32 v18, v2;
	v19 =	vmul.f32 v19, v4;
	v28 =	vld [tilespmem:s9+$0xFFFFFE60];
	(xrf2) =	vadd.scan.msk.f32 $0xffff, v29  }
0xcd: {  	v24 =	vmul.f32 v16, v5;
	v29 =	vadd.f32 v10, v13;
	v14 =	vld [tilespmem:s9+$0xFFFFFE70];
	v8, _, _ =	vpop (xrf2)  }
0xce: {  	v25 =	vadd.f32 v15, v27;
	v11 =	vmul.f32 v11, v3;
	v18 =	vadd.f32 v19, v18;
	v13 =	vld [tilespmem:s9+$0xFFFFFE80]  }
.Ltmp0:
0xcf: {  	v19 =	vmul.f32 v22, v2;
	v22 =	vmul.f32 v20, v4;
	v15 =	vld [tilespmem:s9+$0xFFFFFE90];
	(xrf2) =	vadd.scan.msk.f32 $0xffff, v29;
	(pc) =	sbr.rel @p0 .LBB2_3-.Ltmp0, $4  }
0xd0: {  	v27 =	vadd.f32 v18, v25;
	v20 =	vmul.f32 v17, v5;
	v16 =	vld [tilespmem:s9+$0xFFFFFE20];
	v10, _, _ =	vpop (xrf2)  }
0xd1: {  	v22 =	vadd.f32 v22, v19;
	v23 =	vmul.f32 v23, v3;
	v29 =	vadd.f32 v11, v24;
	v17 =	vld [tilespmem:s9+$0xFFFFFE30]  }
0xd2: {  	v24 =	vmul.f32 v26, v2;
	v25 =	vmul.f32 v21, v4;
	v18 =	vld [tilespmem:s9+$0xFFFFFE40];
	(xrf2) =	vadd.scan.msk.f32 $0xffff, v27  }
0xd3: {  	s22 =	sadd.s32 $0x40, s22;
	v21 =	vmul.f32 v28, v5;
	v22 =	vadd.f32 v22, v29;
	v19 =	vld [tilespmem:s9+$0xFFFFFE50];
	v11, _, _ =	vpop (xrf2)  }
0xd4: {  	v26 =	vld [tilespmem:s9+$0xFFFFFEF0]  }
0xd5: {  	v14 =	vmul.f32 v14, v3;
	v20 =	vadd.f32 v23, v20;
	v23 =	vld [tilespmem:s9+$0xFFFFFF00]  }
0xd6: {  	v24 =	vadd.f32 v25, v24;
	v13 =	vmul.f32 v13, v2;
	v15 =	vmul.f32 v15, v4;
	v25 =	vld [tilespmem:s9+$0xFFFFFF10]  }
0xd7: {  	v12 =	vmul.f32 v12, v5;
	v16 =	vmul.f32 v16, v5  }
0xd8: {  	v27 =	vld [tilespmem:s9+$0xFFFFFFB0];
	v17 =	vmul.f32 v17, v3;
	v14 =	vadd.f32 v14, v21;
	v13 =	vadd.f32 v15, v13  }
0xd9: {  	v20 =	vadd.f32 v24, v20;
	v24 =	vld [tilespmem:s9+$0xFFFFFFC0];
	v18 =	vmul.f32 v18, v2;
	v19 =	vmul.f32 v19, v4  }
0xda: {  	v15 =	vld [tilespmem:s9+$0xFFFFFFD0];
	v16 =	vadd.f32 v17, v16;
	v13 =	vadd.f32 v13, v14;
	v14 =	vmul.f32 v23, v2  }
0xdb: {  	(xrf2) =	vadd.scan.msk.f32 $0xffff, v22;
	v22 =	vld [tilespmem:s9+$0x80];
	v21 =	vmul.f32 v25, v4;
	v17 =	vadd.f32 v19, v18;
	v18 =	vmul.f32 v26, v3  }
0xdc: {  	(xrf2) =	vadd.scan.msk.f32 $0xffff, v20;
	v19 =	vld [tilespmem:s9+$0x70]  }
0xdd: {  	(xrf2) =	vadd.scan.msk.f32 $0xffff, v13;
	v13 =	vadd.f32 v21, v14;
	v21 =	vld [tilespmem:s9+$0x140];
	v12 =	vadd.f32 v18, v12  }
0xde: {  	v9 =	vmul.f32 v9, v5;
	v14 =	vmul.f32 v27, v3;
	v16 =	vadd.f32 v17, v16;
	v17 =	vld [tilespmem:s9+$0x90]  }
0xdf: {  	v20 =	vmul.f32 v24, v2;
	v15 =	vmul.f32 v15, v4;
	v12 =	vadd.f32 v13, v12;
	v13 =	vld [tilespmem:s9+$0x150]  }
0xe0: {  	v18 =	vld [tilespmem:s9+$0x130];
	(xrf2) =	vadd.scan.msk.f32 $0xffff, v16  }
0xe1: {  	v6 =	vmul.f32 v6, v5;
	v9 =	vadd.f32 v14, v9;
	v14 =	vadd.f32 v15, v20  }
0xe2: {  	v1 =	vmul.f32 v1, v5;
	v15 =	vmul.f32 v19, v3  }
0xe3: {  	v16 =	vmul.f32 v22, v2;
	v9 =	vadd.f32 v14, v9;
	(xrf2) =	vadd.scan.msk.f32 $0xffff, v12;
	v17 =	vmul.f32 v17, v4  }
0xe4: {  	v2 =	vmul.f32 v21, v2;
	v12, _, _ =	vpop (xrf2);
	v4 =	vmul.f32 v13, v4  }
0xe5: {  	v6 =	vadd.f32 v15, v6;
	v3 =	vmul.f32 v18, v3;
	v5, _, _ =	vpop (xrf2);
	v14 =	vadd.f32 v17, v16  }
0xe6: {  	(xrf2) =	vadd.scan.msk.f32 $0xffff, v9;
	v15, _, _ =	vpop (xrf2);
	v2 =	vadd.f32 v4, v2  }
0xe7: {  	v9, _, _ =	vpop (xrf2);
	v6 =	vadd.f32 v14, v6  }
0xe8: {  	v1 =	vadd.f32 v3, v1;
	v13, _, _ =	vpop (xrf2)  }
0xe9: {  	v3, _, _ =	vpop (xrf2);
	(xrf2) =	vadd.scan.msk.f32 $0xffff, v6  }
0xea: {  	v1 =	vadd.f32 v2, v1;
	v2, _, _ =	vpop (xrf2)  }
0xeb: {  	v2 =	vbroadcast v2, $0xF  }
0xec: {  	v3 =	vbroadcast v3, $0xF;
	(xrf2) =	vadd.scan.msk.f32 $0xffff, v1  }
0xed: {  	v4, _, _ =	vpop (xrf2);
	v1 =	vsel vm14, $0x0, v2;
	v2 =	vbroadcast v13, $0xF  }
0xee: {  	v1 =	vsel vm0, v3, v1;
	v3 =	vbroadcast v4, $0xF  }
0xef: {  	v1 =	vsel vm1, v1, v2;
	v2 =	vbroadcast v9, $0xF  }
0xf0: {  	v4, _, _ =	vpop (xrf2);
	v1 =	vsel vm2, v1, v3;
	v3 =	vbroadcast v15, $0xF  }
0xf1: {  	v1 =	vsel vm3, v1, v2;
	v2 =	vbroadcast v4, $0xF  }
0xf2: {  	v1 =	vsel vm4, v1, v3;
	v3 =	vbroadcast v5, $0xF  }
0xf3: {  	v4, _, _ =	vpop (xrf2);
	v1 =	vsel vm5, v1, v2;
	v2 =	vbroadcast v12, $0xF  }
0xf4: {  	v1 =	vsel vm6, v1, v3;
	v3 =	vbroadcast v4, $0xF  }
0xf5: {  	v1 =	vsel vm7, v1, v2;
	v2 =	vbroadcast v11, $0xF  }
0xf6: {  	v4, _, _ =	vpop (xrf2);
	v1 =	vsel vm8, v1, v3;
	v3 =	vbroadcast v10, $0xF  }
0xf7: {  	v1 =	vsel vm9, v1, v2;
	v2 =	vbroadcast v4, $0xF  }
0xf8: {  	v1 =	vsel vm10, v1, v3;
	v3 =	vbroadcast v8, $0xF  }
0xf9: {  	v1 =	vsel vm11, v1, v2;
	v2 =	vbroadcast v7, $0xF  }
0xfa: {  	v1 =	vsel vm12, v1, v3  }
0xfb: {  	s22 =	sshra.s32 s14, $0x2;
	s12 =	sshll.u32 s23, $0x7;
	v1 =	vsel vm13, v1, v2  }
0xfc: {  	s28 =	sadd.s32 s12, s11;
	[tilespmem:s22+$0x10400] =	vst v1  }
0xfd: {  	[hbm4b:s28+s3] =	stream.linear.scatter [tilespmem:s19], [sflag:$0x3], $0x200, $0x38;
	[tilespmem:$0x10800] =	vst v63  }
0xfe: {  	_ =	swait.ge [sflag:s13], $0x200  }
0xff: {  	[sflag:s13] =	ssyncset.done $0x0  }
0x100: {  	[sflag:s13] =	ssyncadd.s32 $0xFFFFFE00  }
0x101: {  	_ =	swait.ge [sflag:s20], $0x800  }
0x102: {  	[sflag:s20] =	ssyncset.done $0x0  }
0x103: {  	[sflag:s20] =	ssyncadd.s32 $0xFFFFF800  }
0x104: {  	_ =	swait.ge [sflag:s20], $0x1E00  }
0x105: {  	[sflag:s20] =	ssyncset.done $0x0  }
0x106: {  	[sflag:s20] =	ssyncadd.s32 $0xFFFFE200  }
0x107: {  	_ =	swait.ge [sflag:s20], $0x1E00  }
0x108: {  	[sflag:s20] =	ssyncset.done $0x0  }
0x109: {  	[sflag:s20] =	ssyncadd.s32 $0xFFFFE200  }
0x10a: {  	p0 =	seq.s32 s23, $0x7;
	_ =	swait.ge [sflag:s20], $0x1E00  }
0x10b: {  	s9 =	sadd.s32 @!p0 $0x2, s10;
	[sflag:s20] =	ssyncset.done $0x0  }
0x10c: {  	s10 =	sshll.u32 @!p0 s9, $0x5;
	[sflag:s20] =	ssyncadd.s32 $0xFFFFE200  }
0x10d: {  	s10 =	sadd.s32 @!p0 s7, s10;
	_ =	swait.ge [sflag:s20], $0x1E00  }
0x10e: {  	s12 =	simm.s32 @!p0 $0x0;
	s10 =	sshrl.u32 @!p0 s10, $0x3;
	[sflag:s20] =	ssyncset.done $0x0  }
0x10f: {  	s9 =	sshll.u32 @!p0 s9, $0x2;
	s10 =	sadd.s32 @!p0 s1, s10;
	[sflag:s20] =	ssyncadd.s32 $0xFFFFE200  }
0x110: {  	[tilespmem:s12], [sflag:$0x3] =	stream.linear.gather @!p0 [hbm4b:s10+s12], $0x20, $0x38;
	[tilespmem:$0x10800] =	vst v63  }
0x111: {  	s9 =	sadd.s32 @!p0 s8, s9;
	s10 =	simm.s32 @!p0 $0x3  }
0x112: {  	s9 =	smul.u32 @!p0 $0xF, s9;
	_ =	swait.ge @!p0 [sflag:s10], $0x20  }
0x113: {  	[sflag:s10] =	ssyncset.done @!p0 $0x0  }
0x114: {  	s14 =	simm.s32 @!p0 $0x40;
	s9 =	sadd.s32 @!p0 s4, s9;
	[sflag:s10] =	ssyncadd.s32 @!p0 $0xFFFFFFE0  }
0x115: {  	[tilespmem:s14], [sflag:$0x3] =	stream.linear.gather @!p0 [hbm4b:s9+s12], $0x1E0, $0x38;
	[tilespmem:$0x10800] =	vst v63  }
0x116: {  	_ =	swait.ge @!p0 [sflag:s10], $0x1E0  }
0x117: {  	[sflag:s10] =	ssyncset.done @!p0 $0x0  }
0x118: {  	s9 =	simm.s32 @!p0 $0x20;
	[sflag:s10] =	ssyncadd.s32 @!p0 $0xFFFFFE20;
	s10 =	simm.s32 @!p0 $0x400  }
0x119: {  	[tilespmem:s10], [sflag:$0x1] =	stream.indirect.gather @!p0 [hbm4b:s5+s9], $0x40, s12, s9, $0xb8;
	[tilespmem:$0x10800] =	vst v63  }
0x11a: {  	s9 =	simm.s32 @!p0 $0x78;
	s10 =	simm.s32 @!p0 $0x1400  }
0x11b: {  	[tilespmem:s10], [sflag:$0x1] =	stream.indirect.gather @!p0 [hbm4b:s6+s9], $0x40, s14, s9, $0xb8;
	[tilespmem:$0x10800] =	vst v63  }
0x11c: {  	s12 =	simm.s32 @!p0 $0x3200;
	s10 =	simm.s32 @!p0 $0xB8  }
0x11d: {  	[tilespmem:s12], [sflag:$0x1] =	stream.indirect.gather @!p0 [hbm4b:s6+s9], $0x40, s10, s9, $0xb8;
	[tilespmem:$0x10800] =	vst v63  }
0x11e: {  	s10 =	simm.s32 @!p0 $0x130;
	s12 =	simm.s32 @!p0 $0x5000  }
0x11f: {  	[tilespmem:s12], [sflag:$0x1] =	stream.indirect.gather @!p0 [hbm4b:s6+s9], $0x40, s10, s9, $0xb8;
	[tilespmem:$0x10800] =	vst v63  }
0x120: {  	s10 =	simm.s32 @!p0 $0x1A8;
	s12 =	simm.s32 @!p0 $0x6E00  }
0x121: {  	[tilespmem:s12], [sflag:$0x1] =	stream.indirect.gather @!p0 [hbm4b:s6+s9], $0x40, s10, s9, $0xb8;
	[tilespmem:$0x10800] =	vst v63  }
0x122: {  	s9 =	simm.s32 $0x8DE0  }
0x123: {  	v7 =	vld [tilespmem:s9+$0x1A0]  }
0x124: {  	v8 =	vld [tilespmem:s9+$0x1B0]  }
0x125: {  	v9 =	vld [tilespmem:s9+$0x1C0]  }
0x126: {  	v10 =	vld [tilespmem:s9+$0x1D0]  }
0x127: {  	v11 =	vld [tilespmem:s9+$0x160]  }
0x128: {  	v12 =	vld [tilespmem:s9+$0x170]  }
0x129: {  	v13 =	vld [tilespmem:s9+$0x180]  }
0x12a: {  	v14 =	vld [tilespmem:s9+$0x190]  }
0x12b: {  	v1 =	vld [tilespmem:s9+$0x120]  }
0x12c: {  	v15 =	vld [tilespmem:s9+$0xE0]  }
0x12d: {  	v16 =	vld [tilespmem:s9+$0xF0]  }
0x12e: {  	v17 =	vld [tilespmem:s9+$0x100]  }
0x12f: {  	v18 =	vld [tilespmem:s9+$0x110]  }
0x130: {  	v19 =	vld [tilespmem:s9+$0xA0]  }
0x131: {  	v20 =	vld [tilespmem:s9+$0xB0]  }
0x132: {  	v21 =	vld [tilespmem:s9+$0xC0]  }
0x133: {  	v22 =	vld [tilespmem:s9+$0xD0]  }
0x134: {  	s12 =	simm.s32 $0xC20;
	v6 =	vld [tilespmem:s9+$0x60]  }
0x135: {  	v5 =	vld [tilespmem:s12+$0xFFFFFFE0]  }
0x136: {  	v3 =	vld [tilespmem:s12+$0xFFFFFFF0]  }
0x137: {  	v2 =	vld [tilespmem:s12+$0x0]  }
0x138: {  	v4 =	vld [tilespmem:s12+$0x10]  }
0x139: {  	v23 =	vld [tilespmem:s9+$0x20]  }
0x13a: {  	v24 =	vld [tilespmem:s9+$0x30]  }
0x13b: {  	v25 =	vld [tilespmem:s9+$0x40]  }
0x13c: {  	v26 =	vld [tilespmem:s9+$0x50]  }
0x13d: {  	v27 =	vld [tilespmem:s9+$0xFFFFFFE0];
	v7 =	vmul.f32 v7, v5  }
0x13e: {  	v28 =	vld [tilespmem:s9+$0xFFFFFFF0];
	v8 =	vmul.f32 v8, v3;
	v30 =	vmul.f32 v9, v2  }
0x13f: {  	v29 =	vld [tilespmem:s9+$0x0];
	v10 =	vmul.f32 v10, v4;
	v11 =	vmul.f32 v11, v5  }
0x140: {  	v31 =	vld [tilespmem:s9+$0x10];
	v12 =	vmul.f32 v12, v3;
	v15 =	vmul.f32 v15, v5;
	v7 =	vadd.f32 v8, v7  }
0x141: {  	v60 =	vld [tilespmem:s9+$0xFFFFFF70];
	v8 =	vadd.f32 v10, v30;
	v10 =	vmul.f32 v13, v2;
	v13 =	vmul.f32 v14, v4  }
0x142: {  	v62 =	vld [tilespmem:s9+$0xFFFFFE60];
	v16 =	vmul.f32 v16, v3;
	v11 =	vadd.f32 v12, v11;
	v12 =	vmul.f32 v17, v2  }
0x143: {  	v9 =	vld [tilespmem:s9+$0xFFFFFFA0];
	v10 =	vadd.f32 v13, v10;
	v13 =	vmul.f32 v18, v4;
	v7 =	vadd.f32 v8, v7  }
0x144: {  	v14 =	vld [tilespmem:s9+$0xFFFFFF60];
	v8 =	vmul.f32 v19, v5;
	v19 =	vmul.f32 v20, v3  }
0x145: {  	v17 =	vld [tilespmem:s9+$0xFFFFFF80];
	v15 =	vadd.f32 v16, v15;
	v20 =	vmul.f32 v21, v2;
	v21 =	vmul.f32 v22, v4;
	(xrf2) =	vadd.scan.msk.f32 $0xffff, v7  }
0x146: {  	v16 =	vld [tilespmem:s9+$0xFFFFFF30];
	v10 =	vadd.f32 v10, v11;
	v12 =	vadd.f32 v13, v12  }
0x147: {  	v18 =	vld [tilespmem:s9+$0xFFFFFF90];
	v8 =	vadd.f32 v19, v8;
	v13 =	vadd.f32 v21, v20  }
0x148: {  	v22 =	vld [tilespmem:s9+$0xFFFFFEA0];
	v21 =	vmul.f32 v26, v4;
	v7 =	vadd.f32 v12, v15;
	(xrf2) =	vadd.scan.msk.f32 $0xffff, v10;
	v10 =	vmul.f32 v23, v5  }
0x149: {  	v11 =	vld [tilespmem:s9+$0xFFFFFF20];
	v15 =	vmul.f32 v24, v3;
	v8 =	vadd.f32 v13, v8;
	v13 =	vmul.f32 v25, v2  }
0x14a: {  	v19 =	vld [tilespmem:s9+$0xFFFFFF40];
	v23 =	vmul.f32 v28, v3  }
0x14b: {  	v20 =	vld [tilespmem:s9+$0xFFFFFF50];
	(xrf2) =	vadd.scan.msk.f32 $0xffff, v7;
	v7 =	vmul.f32 v27, v5;
	v10 =	vadd.f32 v15, v10;
	v21 =	vadd.f32 v21, v13  }
0x14c: {  	v26 =	vld [tilespmem:s9+$0xFFFFFEC0];
	v25 =	vmul.f32 v31, v4;
	(xrf2) =	vadd.scan.msk.f32 $0xffff, v8;
	v8 =	vmul.f32 v29, v2  }
0x14d: {  	v61 =	vmul.f32 v60, v3;
	v12 =	vld [tilespmem:s9+$0xFFFFFEE0];
	v10 =	vadd.f32 v21, v10  }
0x14e: {  	v17 =	vmul.f32 v17, v2;
	v24 =	vld [tilespmem:s9+$0xFFFFFEB0];
	v23 =	vadd.f32 v23, v7;
	v8 =	vadd.f32 v25, v8  }
0x14f: {  	v18 =	vmul.f32 v18, v4;
	v15 =	vmul.f32 v14, v5;
	v27 =	vld [tilespmem:s9+$0xFFFFFED0];
	v7, _, _ =	vpop (xrf2);
	(xrf2) =	vadd.scan.msk.f32 $0xffff, v10  }
0x150: {  	v14 =	vld [tilespmem:s9+$0xFFFFFE70];
	v11 =	vmul.f32 v11, v5;
	v25 =	vmul.f32 v16, v3;
	v21 =	vadd.f32 v8, v23  }
0x151: {  	v13 =	vld [tilespmem:s9+$0xFFFFFE80];
	v17 =	vadd.f32 v18, v17;
	v28 =	vadd.f32 v61, v15  }
0x152: {  	v18 =	vmul.f32 v19, v2;
	v19 =	vmul.f32 v20, v4;
	v15 =	vld [tilespmem:s9+$0xFFFFFE90];
	v11 =	vadd.f32 v25, v11;
	v8, _, _ =	vpop (xrf2);
	(xrf2) =	vadd.scan.msk.f32 $0xffff, v21  }
0x153: {  	v16 =	vld [tilespmem:s9+$0xFFFFFE20];
	v28 =	vadd.f32 v17, v28  }
0x154: {  	v20 =	vmul.f32 v22, v5;
	v63 =	vadd.f32 v19, v18;
	v18 =	vld [tilespmem:s9+$0xFFFFFE40];
	v23 =	vmul.f32 v24, v3  }
0x155: {  	v17 =	vld [tilespmem:s9+$0xFFFFFE30];
	v24 =	vmul.f32 v26, v2;
	v25 =	vmul.f32 v27, v4;
	v10, _, _ =	vpop (xrf2);
	(xrf2) =	vadd.scan.msk.f32 $0xffff, v28  }
0x156: {  	s14 =	simm.s32 $0x40;
	s10 =	simm.s32 $0x0;
	v22 =	vmul.f32 v62, v5;
	v19 =	vld [tilespmem:s9+$0xFFFFFE50];
	v21 =	vadd.f32 v63, v11;
	v11, _, _ =	vpop (xrf2)  }
.LBB2_5:
0x157: {  	p0 =	sne.s32 s14, $0x7C0;
	v14 =	vmul.f32 v14, v3;
	v20 =	vadd.f32 v23, v20;
	v26 =	vadd.f32 v25, v24;
	v24 =	vld [tilespmem:s9+$0xFFFFFEF0]  }
0x158: {  	v13 =	vmul.f32 v13, v2;
	v15 =	vmul.f32 v15, v4;
	v25 =	vld [tilespmem:s9+$0xFFFFFF00];
	(xrf2) =	vadd.scan.msk.f32 $0xffff, v21  }
0x159: {  	v16 =	vmul.f32 v16, v5;
	v26 =	vadd.f32 v26, v20;
	v21 =	vld [tilespmem:s9+$0xFFFFFF10];
	v23, _, _ =	vpop (xrf2)  }
0x15a: {  	v17 =	vmul.f32 v17, v3;
	v14 =	vadd.f32 v14, v22;
	v13 =	vadd.f32 v15, v13;
	v15 =	vld [tilespmem:s9+$0xFFFFFFB0]  }
0x15b: {  	v18 =	vmul.f32 v18, v2;
	v19 =	vmul.f32 v19, v4;
	v22 =	vld [tilespmem:s9+$0xFFFFFFC0];
	(xrf2) =	vadd.scan.msk.f32 $0xffff, v26  }
0x15c: {  	v12 =	vmul.f32 v12, v5;
	v13 =	vadd.f32 v13, v14;
	v14 =	vld [tilespmem:s9+$0xFFFFFFD0];
	v20, _, _ =	vpop (xrf2)  }
0x15d: {  	v16 =	vadd.f32 v17, v16;
	v26 =	vadd.f32 v19, v18;
	v18 =	vmul.f32 v24, v3;
	v19 =	vld [tilespmem:s9+$0x70]  }
0x15e: {  	v24 =	vmul.f32 v25, v2;
	v21 =	vmul.f32 v21, v4;
	v25 =	vld [tilespmem:s9+$0x80];
	(xrf2) =	vadd.scan.msk.f32 $0xffff, v13  }
0x15f: {  	v9 =	vmul.f32 v9, v5;
	v13 =	vadd.f32 v26, v16;
	v16 =	vld [tilespmem:s9+$0x90];
	v17, _, _ =	vpop (xrf2)  }
0x160: {  	v12 =	vadd.f32 v18, v12;
	v15 =	vmul.f32 v15, v3;
	v26 =	vadd.f32 v21, v24;
	v21 =	vld [tilespmem:s9+$0x130]  }
0x161: {  	v22 =	vmul.f32 v22, v2;
	v14 =	vmul.f32 v14, v4;
	v24 =	vld [tilespmem:s9+$0x140];
	(xrf2) =	vadd.scan.msk.f32 $0xffff, v13  }
0x162: {  	v6 =	vmul.f32 v6, v5;
	v12 =	vadd.f32 v26, v12;
	v13 =	vld [tilespmem:s9+$0x150];
	v18, _, _ =	vpop (xrf2)  }
0x163: {  	v9 =	vadd.f32 v15, v9;
	v15 =	vmul.f32 v19, v3;
	v14 =	vadd.f32 v14, v22  }
0x164: {  	v19 =	vmul.f32 v25, v2;
	v16 =	vmul.f32 v16, v4;
	(xrf2) =	vadd.scan.msk.f32 $0xffff, v12  }
0x165: {  	v1 =	vmul.f32 v1, v5;
	v14 =	vadd.f32 v14, v9;
	v5, _, _ =	vpop (xrf2)  }
0x166: {  	v6 =	vadd.f32 v15, v6;
	v3 =	vmul.f32 v21, v3;
	v12 =	vadd.f32 v16, v19  }
0x167: {  	v2 =	vmul.f32 v24, v2;
	v4 =	vmul.f32 v13, v4;
	(xrf2) =	vadd.scan.msk.f32 $0xffff, v14  }
0x168: {  	v6 =	vadd.f32 v12, v6;
	v9, _, _ =	vpop (xrf2)  }
0x169: {  	v1 =	vadd.f32 v3, v1;
	v3 =	vadd.f32 v4, v2  }
0x16a: {  	(xrf2) =	vadd.scan.msk.f32 $0xffff, v6  }
0x16b: {  	v1 =	vadd.f32 v3, v1;
	v2, _, _ =	vpop (xrf2)  }
0x16c: {  	v2 =	vbroadcast v2, $0xF  }
0x16d: {  	vm14 =	veq.s32 v0, $0xF;
	v3 =	vbroadcast v9, $0xF;
	(xrf2) =	vadd.scan.msk.f32 $0xffff, v1  }
0x16e: {  	v1 =	vsel vm14, $0x0, v2;
	v2 =	vbroadcast v5, $0xF;
	v4, _, _ =	vpop (xrf2)  }
0x16f: {  	v1 =	vsel vm0, v3, v1;
	v3 =	vbroadcast v4, $0xF  }
0x170: {  	v1 =	vsel vm1, v1, v2;
	v2 =	vbroadcast v18, $0xF  }
0x171: {  	v1 =	vsel vm2, v1, v3;
	v3 =	vbroadcast v17, $0xF;
	v4, _, _ =	vpop (xrf2)  }
0x172: {  	v1 =	vsel vm3, v1, v2;
	v2 =	vbroadcast v4, $0xF  }
0x173: {  	v1 =	vsel vm4, v1, v3;
	v3 =	vbroadcast v20, $0xF  }
0x174: {  	v1 =	vsel vm5, v1, v2;
	v2 =	vbroadcast v23, $0xF;
	v4, _, _ =	vpop (xrf2)  }
0x175: {  	v1 =	vsel vm6, v1, v3;
	v3 =	vbroadcast v4, $0xF  }
0x176: {  	v1 =	vsel vm7, v1, v2;
	v2 =	vbroadcast v11, $0xF  }
0x177: {  	v1 =	vsel vm8, v1, v3;
	v3 =	vbroadcast v10, $0xF;
	v4, _, _ =	vpop (xrf2)  }
0x178: {  	v1 =	vsel vm9, v1, v2;
	v2 =	vbroadcast v4, $0xF  }
0x179: {  	v1 =	vsel vm10, v1, v3;
	v3 =	vbroadcast v8, $0xF  }
0x17a: {  	v1 =	vsel vm11, v1, v2;
	v2 =	vbroadcast v7, $0xF  }
0x17b: {  	v1 =	vsel vm12, v1, v3  }
0x17c: {  	s22 =	sshra.s32 s10, $0x2;
	s10 =	smov.u32 s14;
	v1 =	vsel vm13, v1, v2  }
0x17d: {  	s9 =	sadd.s32 $0x3C0, s9;
	[tilespmem:s22+$0x10600] =	vst v1  }
0x17e: {  	v7 =	vld [tilespmem:s9+$0x1A0]  }
0x17f: {  	v8 =	vld [tilespmem:s9+$0x1B0]  }
0x180: {  	v9 =	vld [tilespmem:s9+$0x1C0]  }
0x181: {  	v10 =	vld [tilespmem:s9+$0x1D0]  }
0x182: {  	v11 =	vld [tilespmem:s9+$0x160]  }
0x183: {  	v12 =	vld [tilespmem:s9+$0x170]  }
0x184: {  	v13 =	vld [tilespmem:s9+$0x180]  }
0x185: {  	v14 =	vld [tilespmem:s9+$0x190]  }
0x186: {  	v1 =	vld [tilespmem:s9+$0x120]  }
0x187: {  	v15 =	vld [tilespmem:s9+$0xE0]  }
0x188: {  	v16 =	vld [tilespmem:s9+$0xF0]  }
0x189: {  	v17 =	vld [tilespmem:s9+$0x100]  }
0x18a: {  	v18 =	vld [tilespmem:s9+$0x110]  }
0x18b: {  	v19 =	vld [tilespmem:s9+$0xA0]  }
0x18c: {  	v20 =	vld [tilespmem:s9+$0xB0]  }
0x18d: {  	v21 =	vld [tilespmem:s9+$0xC0]  }
0x18e: {  	v22 =	vld [tilespmem:s9+$0xD0]  }
0x18f: {  	s12 =	sadd.s32 $0x40, s12;
	v6 =	vld [tilespmem:s9+$0x60]  }
0x190: {  	v5 =	vld [tilespmem:s12+$0xFFFFFFE0]  }
0x191: {  	v3 =	vld [tilespmem:s12+$0xFFFFFFF0]  }
0x192: {  	v2 =	vld [tilespmem:s12+$0x0]  }
0x193: {  	v4 =	vld [tilespmem:s12+$0x10]  }
0x194: {  	v23 =	vld [tilespmem:s9+$0x20]  }
0x195: {  	v24 =	vld [tilespmem:s9+$0x30]  }
0x196: {  	v25 =	vld [tilespmem:s9+$0x40]  }
0x197: {  	v7 =	vmul.f32 v7, v5;
	v8 =	vmul.f32 v8, v3;
	v26 =	vld [tilespmem:s9+$0x50]  }
0x198: {  	v9 =	vmul.f32 v9, v2;
	v27 =	vld [tilespmem:s9+$0xFFFFFFE0];
	v10 =	vmul.f32 v10, v4  }
0x199: {  	v11 =	vmul.f32 v11, v5;
	v28 =	vld [tilespmem:s9+$0xFFFFFFF0]  }
0x19a: {  	v12 =	vmul.f32 v12, v3;
	v7 =	vadd.f32 v8, v7;
	v29 =	vld [tilespmem:s9+$0x0];
	v8 =	vadd.f32 v10, v9  }
0x19b: {  	v13 =	vmul.f32 v13, v2;
	v14 =	vmul.f32 v14, v4;
	v10 =	vld [tilespmem:s9+$0x10]  }
0x19c: {  	v15 =	vmul.f32 v15, v5;
	v9 =	vld [tilespmem:s9+$0xFFFFFFA0];
	v7 =	vadd.f32 v8, v7  }
0x19d: {  	v16 =	vmul.f32 v16, v3;
	v11 =	vadd.f32 v12, v11;
	v12 =	vadd.f32 v14, v13;
	v8 =	vld [tilespmem:s9+$0xFFFFFF60]  }
0x19e: {  	v14 =	vmul.f32 v17, v2;
	v17 =	vmul.f32 v18, v4;
	v13 =	vld [tilespmem:s9+$0xFFFFFF70];
	(xrf2) =	vadd.scan.msk.f32 $0xffff, v7  }
0x19f: {  	v11 =	vadd.f32 v12, v11;
	v7 =	vmul.f32 v19, v5;
	v18 =	vld [tilespmem:s9+$0xFFFFFF80]  }
0x1a0: {  	v15 =	vadd.f32 v16, v15;
	v12 =	vmul.f32 v20, v3;
	v14 =	vadd.f32 v17, v14;
	v19 =	vld [tilespmem:s9+$0xFFFFFF90]  }
0x1a1: {  	v17 =	vmul.f32 v21, v2;
	v20 =	vmul.f32 v22, v4;
	v16 =	vld [tilespmem:s9+$0xFFFFFF20];
	(xrf2) =	vadd.scan.msk.f32 $0xffff, v11  }
0x1a2: {  	v21 =	vmul.f32 v23, v5;
	v14 =	vadd.f32 v14, v15;
	v11 =	vld [tilespmem:s9+$0xFFFFFF30]  }
0x1a3: {  	v15 =	vmul.f32 v24, v3;
	v17 =	vadd.f32 v20, v17;
	v7 =	vadd.f32 v12, v7;
	v22 =	vld [tilespmem:s9+$0xFFFFFF40]  }
0x1a4: {  	v23 =	vmul.f32 v25, v2;
	v24 =	vmul.f32 v26, v4;
	v20 =	vld [tilespmem:s9+$0xFFFFFF50];
	(xrf2) =	vadd.scan.msk.f32 $0xffff, v14  }
0x1a5: {  	v30 =	vadd.f32 v17, v7;
	v14 =	vmul.f32 v27, v5;
	v12 =	vld [tilespmem:s9+$0xFFFFFEE0]  }
0x1a6: {  	v25 =	vmul.f32 v28, v3;
	v15 =	vadd.f32 v15, v21;
	v21 =	vadd.f32 v24, v23;
	v17 =	vld [tilespmem:s9+$0xFFFFFEA0]  }
0x1a7: {  	v24 =	vmul.f32 v29, v2;
	v10 =	vmul.f32 v10, v4;
	v23 =	vld [tilespmem:s9+$0xFFFFFEB0];
	(xrf2) =	vadd.scan.msk.f32 $0xffff, v30  }
0x1a8: {  	v29 =	vadd.f32 v21, v15;
	v27 =	vmul.f32 v8, v5;
	v26 =	vld [tilespmem:s9+$0xFFFFFEC0];
	v7, _, _ =	vpop (xrf2)  }
0x1a9: {  	v10 =	vadd.f32 v10, v24;
	v15 =	vmul.f32 v13, v3;
	v13 =	vadd.f32 v25, v14;
	v21 =	vld [tilespmem:s9+$0xFFFFFED0]  }
0x1aa: {  	v18 =	vmul.f32 v18, v2;
	v19 =	vmul.f32 v19, v4;
	v28 =	vld [tilespmem:s9+$0xFFFFFE60];
	(xrf2) =	vadd.scan.msk.f32 $0xffff, v29  }
0x1ab: {  	v24 =	vmul.f32 v16, v5;
	v29 =	vadd.f32 v10, v13;
	v14 =	vld [tilespmem:s9+$0xFFFFFE70];
	v8, _, _ =	vpop (xrf2)  }
0x1ac: {  	v25 =	vadd.f32 v15, v27;
	v11 =	vmul.f32 v11, v3;
	v18 =	vadd.f32 v19, v18;
	v13 =	vld [tilespmem:s9+$0xFFFFFE80]  }
.Ltmp1:
0x1ad: {  	v19 =	vmul.f32 v22, v2;
	v22 =	vmul.f32 v20, v4;
	v15 =	vld [tilespmem:s9+$0xFFFFFE90];
	(xrf2) =	vadd.scan.msk.f32 $0xffff, v29;
	(pc) =	sbr.rel @p0 .LBB2_5-.Ltmp1, $4  }
0x1ae: {  	v27 =	vadd.f32 v18, v25;
	v20 =	vmul.f32 v17, v5;
	v16 =	vld [tilespmem:s9+$0xFFFFFE20];
	v10, _, _ =	vpop (xrf2)  }
0x1af: {  	v30 =	vadd.f32 v11, v24;
	v23 =	vmul.f32 v23, v3;
	v29 =	vadd.f32 v22, v19;
	v17 =	vld [tilespmem:s9+$0xFFFFFE30]  }
0x1b0: {  	v24 =	vmul.f32 v26, v2;
	v25 =	vmul.f32 v21, v4;
	v18 =	vld [tilespmem:s9+$0xFFFFFE40];
	(xrf2) =	vadd.scan.msk.f32 $0xffff, v27  }
0x1b1: {  	s14 =	sadd.s32 $0x40, s14;
	v22 =	vmul.f32 v28, v5;
	v21 =	vadd.f32 v29, v30;
	v19 =	vld [tilespmem:s9+$0xFFFFFE50];
	v11, _, _ =	vpop (xrf2)  }
0x1b2: {  	v26 =	vld [tilespmem:s9+$0xFFFFFEF0]  }
0x1b3: {  	v31 =	vld [tilespmem:s9+$0xFFFFFF00]  }
0x1b4: {  	v14 =	vmul.f32 v14, v3;
	v20 =	vadd.f32 v23, v20;
	v32 =	vld [tilespmem:s9+$0xFFFFFF10]  }
0x1b5: {  	v30 =	vadd.f32 v25, v24;
	v13 =	vmul.f32 v13, v2;
	v15 =	vmul.f32 v15, v4;
	v33 =	vld [tilespmem:s9+$0xFFFFFFB0]  }
0x1b6: {  	v34 =	vld [tilespmem:s9+$0xFFFFFFC0];
	v16 =	vmul.f32 v16, v5;
	v17 =	vmul.f32 v17, v3  }
0x1b7: {  	v36 =	vld [tilespmem:s9+$0xFFFFFFD0];
	v20 =	vadd.f32 v30, v20;
	v18 =	vmul.f32 v18, v2;
	v19 =	vmul.f32 v19, v4  }
0x1b8: {  	v12 =	vmul.f32 v12, v5;
	v39 =	vld [tilespmem:s9+$0x70];
	v14 =	vadd.f32 v14, v22;
	v13 =	vadd.f32 v15, v13  }
0x1b9: {  	v42 =	vld [tilespmem:s9+$0x80];
	v35 =	vadd.f32 v17, v16;
	v38 =	vmul.f32 v26, v3;
	v37 =	vadd.f32 v19, v18  }
0x1ba: {  	v43 =	vld [tilespmem:s9+$0x90];
	(xrf2) =	vadd.scan.msk.f32 $0xffff, v21;
	v13 =	vadd.f32 v13, v14;
	v40 =	vmul.f32 v31, v2;
	v41 =	vmul.f32 v32, v4  }
0x1bb: {  	v9 =	vmul.f32 v9, v5;
	v48 =	vld [tilespmem:s9+$0x140];
	(xrf2) =	vadd.scan.msk.f32 $0xffff, v20;
	v15 =	vadd.f32 v37, v35  }
0x1bc: {  	v49 =	vld [tilespmem:s9+$0x150];
	v45 =	vmul.f32 v33, v3;
	(xrf2) =	vadd.scan.msk.f32 $0xffff, v13;
	v12 =	vadd.f32 v38, v12;
	v44 =	vadd.f32 v41, v40  }
0x1bd: {  	v46 =	vld [tilespmem:s9+$0x130];
	v47 =	vmul.f32 v34, v2;
	v16 =	vmul.f32 v36, v4;
	(xrf2) =	vadd.scan.msk.f32 $0xffff, v15  }
0x1be: {  	v6 =	vmul.f32 v6, v5;
	v12 =	vadd.f32 v44, v12  }
0x1bf: {  	v51 =	vmul.f32 v39, v3;
	v9 =	vadd.f32 v45, v9;
	v50 =	vadd.f32 v16, v47  }
0x1c0: {  	v52 =	vmul.f32 v42, v2;
	v17 =	vmul.f32 v43, v4;
	(xrf2) =	vadd.scan.msk.f32 $0xffff, v12  }
0x1c1: {  	v53, _, _ =	vpop (xrf2);
	v2 =	vmul.f32 v48, v2;
	v57 =	vmul.f32 v49, v4;
	v9 =	vadd.f32 v50, v9  }
0x1c2: {  	v54, _, _ =	vpop (xrf2);
	v3 =	vmul.f32 v46, v3;
	v6 =	vadd.f32 v51, v6;
	v55 =	vadd.f32 v17, v52  }
0x1c3: {  	v1 =	vmul.f32 v1, v5;
	v2 =	vadd.f32 v57, v2;
	v56, _, _ =	vpop (xrf2);
	(xrf2) =	vadd.scan.msk.f32 $0xffff, v9  }
0x1c4: {  	v6 =	vadd.f32 v55, v6;
	v58, _, _ =	vpop (xrf2)  }
0x1c5: {  	v1 =	vadd.f32 v3, v1;
	v59, _, _ =	vpop (xrf2)  }
0x1c6: {  	(xrf2) =	vadd.scan.msk.f32 $0xffff, v6;
	v3, _, _ =	vpop (xrf2)  }
0x1c7: {  	v1 =	vadd.f32 v2, v1;
	v2, _, _ =	vpop (xrf2)  }
0x1c8: {  	v2 =	vbroadcast v2, $0xF  }
0x1c9: {  	(xrf2) =	vadd.scan.msk.f32 $0xffff, v1;
	v3 =	vbroadcast v3, $0xF  }
0x1ca: {  	v60, _, _ =	vpop (xrf2);
	v1 =	vsel vm14, $0x0, v2;
	v2 =	vbroadcast v59, $0xF  }
0x1cb: {  	v1 =	vsel vm0, v3, v1;
	v3 =	vbroadcast v60, $0xF  }
0x1cc: {  	v1 =	vsel vm1, v1, v2;
	v2 =	vbroadcast v58, $0xF  }
0x1cd: {  	v61, _, _ =	vpop (xrf2);
	v1 =	vsel vm2, v1, v3;
	v3 =	vbroadcast v56, $0xF  }
0x1ce: {  	v1 =	vsel vm3, v1, v2;
	v2 =	vbroadcast v61, $0xF  }
0x1cf: {  	v1 =	vsel vm4, v1, v3;
	v3 =	vbroadcast v54, $0xF  }
0x1d0: {  	v62, _, _ =	vpop (xrf2);
	v1 =	vsel vm5, v1, v2;
	v2 =	vbroadcast v53, $0xF  }
0x1d1: {  	v1 =	vsel vm6, v1, v3;
	v3 =	vbroadcast v62, $0xF  }
0x1d2: {  	v1 =	vsel vm7, v1, v2;
	v2 =	vbroadcast v11, $0xF  }
0x1d3: {  	v63, _, _ =	vpop (xrf2);
	v1 =	vsel vm8, v1, v3;
	v3 =	vbroadcast v10, $0xF  }
0x1d4: {  	v1 =	vsel vm9, v1, v2;
	v2 =	vbroadcast v63, $0xF  }
0x1d5: {  	v1 =	vsel vm10, v1, v3;
	v3 =	vbroadcast v8, $0xF  }
0x1d6: {  	v1 =	vsel vm11, v1, v2;
	v2 =	vbroadcast v7, $0xF  }
0x1d7: {  	s23 =	sadd.s32 $0x1, s23;
	v1 =	vsel vm12, v1, v3  }
0x1d8: {  	s22 =	sshra.s32 s10, $0x2;
	s24 =	sshll.u32 s24, $0x6;
	p0 =	sne.s32 s23, $0x8;
	v1 =	vsel vm13, v1, v2  }
.Ltmp2:
0x1d9: {  	s28 =	sadd.s32 s24, s11;
	[tilespmem:s22+$0x10600] =	vst v1;
	(pc) =	sbr.rel @p0 .LBB2_2-.Ltmp2, $4  }
0x1da: {  	[hbm4b:s28+s3] =	stream.linear.scatter [tilespmem:s21], [sflag:$0x3], $0x200, $0x38;
	[tilespmem:$0x10800] =	vst v63  }
0x1db: {  	_ =	swait.ge [sflag:s13], $0x200  }
0x1dc: {  	[sflag:s13] =	ssyncset.done $0x0  }
0x1dd: {  	[sflag:s13] =	ssyncadd.s32 $0xFFFFFE00  }
0x1de: {  	s10 =	rddreg [dreg:$0x7]  }
0x1df: {  	s9 =	rddreg [dreg:$0x6];
	s10 =	sadd.s32 $0x1, s10  }
0x1e0: {  	p0 =	sne.s32 s10, s9  }
.Ltmp3:
0x1e1: {  	_ = 	snop;
	(pc) =	sbr.rel @p0 .LBB2_1-.Ltmp3, $1  }
0x1e2: {  	_ =	sdelay $0x3  }
0x1e3: {  	_ =	sfence.sel $0x180000  }
0x1e4: {  	[bflag:$0x0] =	sbarrier.arrive $0xFFFF  }
0x1e5: {  	_ =	strace $0x90000047  }
0x1e6: {  	s0 =	stileid.u32;
	[bflag:$0x2] =	sbarrier.arrive $0xFFFF  }
0x1e7: {  	p0 =	sne.s32 s0, $0x0;
	s0 =	rddreg [dreg:$0x3]  }
0x1e8: {  	s0 =	sadd.s32 @!p0 $0x100000, s0  }
0x1e9: {  	[sflag:s0] =	ssyncadd.tile.s32 @!p0 $0x1;
	_ =	shalt  }
.Lfunc_end2:
_tile_overlayer_lowered:
.L_overlay_start_2:
0x1ea: {  	(tag) =	ssettag $0x2  }
0x1eb: {  	s0 =	rddreg [dreg:$0x0];
	s2 =	stileid.u32  }
0x1ec: {  	s1 =	rddreg [dreg:$0x1];
	p0 =	sne.s32 s2, $0x0  }
0x1ed: {  	s3 =	rddreg [dreg:$0x2];
	[bflag:$0x3] =	sbarrier.arrive $0xFFFF;
	s2 =	simm.s32 @!p0 $0x1C03  }
0x1ee: {  	[timem:s3], [sflag:s2] =	dma.local @!p0 [hbm:s0], s1  }
0x1ef: {  	s0 =	simm.s32 @!p0 $0x3  }
0x1f0: {  	_ =	swait.ge @!p0 [sflag:s0], s1  }
0x1f1: {  	s1 =	ssub.s32 @!p0 $0x0, s1;
	[sflag:s0] =	ssyncset.done @!p0 $0x0  }
0x1f2: {  	[sflag:s0] =	ssyncadd.s32 @!p0 s1  }
0x1f3: {  	[bflag:$0x3] =	sbarrier.arrive $0xFFFF  }
0x1f4: {  	_ =	shalt  }

</sc_bundles>
